<compile_context>
chip_gen: v7x
topology: tpu7x:2x2x1
jax: 0.10.2.dev20260603
libtpu: 0.0.44.dev20260713+nightly
codegen_flags: <defaults>
</compile_context>

<pallas_src>
import functools

import jax
import jax.numpy as jnp
from jax import lax
from jax.experimental import pallas as pl
from jax.experimental.pallas import tpu as pltpu
from jax.experimental.pallas import tpu_sc as plsc

N_EMB = 8192
N_REL = 4096
D = 1024
L = 16
INV_SQRT_D = 1.0 / (D ** 0.5)


_PROJ_G = 4
_PROJ_B = N_EMB // _PROJ_G


def _proj_body(q_ref, w_ref, e_ref, p_ref, v_scr):
    @pl.when(pl.program_id(0) == 0)
    def _():
        q2d = q_ref[...].reshape(1, D)
        v_scr[...] = lax.dot_general(
            q2d, w_ref[...], (((1,), (1,)), ((), ())),
            preferred_element_type=jnp.float32,
            precision=lax.Precision.DEFAULT)

    pb = lax.dot_general(
        v_scr[...], e_ref[...], (((1,), (1,)), ((), ())),
        preferred_element_type=jnp.float32,
        precision=lax.Precision.DEFAULT)
    p_ref[...] = pb.reshape(_PROJ_B)


_proj = pl.pallas_call(
    _proj_body,
    grid=(_PROJ_G,),
    in_specs=[
        pl.BlockSpec((D,), lambda i: (0,)),
        pl.BlockSpec((D, D), lambda i: (0, 0)),
        pl.BlockSpec((_PROJ_B, D), lambda i: (i, 0)),
    ],
    out_specs=pl.BlockSpec((_PROJ_B,), lambda i: (i,)),
    out_shape=jax.ShapeDtypeStruct((N_EMB,), jnp.float32),
    scratch_shapes=[pltpu.VMEM((1, D), jnp.float32)],
)


_sc_mesh = plsc.VectorSubcoreMesh(
    core_axis_name="c", subcore_axis_name="s", num_cores=2, num_subcores=16)

_NT = 16
_EPT = N_EMB // _NT
_RPT = N_REL // _NT
_CHUNK = 128


@functools.partial(
    pl.kernel,
    out_type=jax.ShapeDtypeStruct((N_EMB // _CHUNK, _CHUNK), jnp.float32),
    mesh=_sc_mesh,
    scratch_types=[
        pltpu.VMEM((_EPT // _CHUNK, _CHUNK), jnp.float32),
        pltpu.VMEM((_EPT // _CHUNK, _CHUNK), jnp.int32),
        pltpu.VMEM((_EPT // _CHUNK, _CHUNK), jnp.float32),
        pltpu.VMEM((_RPT,), jnp.float32),
        pltpu.VMEM((_RPT,), jnp.float32),
        pltpu.VMEM((L,), jnp.float32),
        pltpu.VMEM((_NT * L,), jnp.float32),
        pltpu.VMEM((_EPT // _CHUNK, _CHUNK), jnp.float32),
        pltpu.VMEM_SHARED((N_REL,), jnp.float32),
        pltpu.VMEM_SHARED((N_REL,), jnp.float32),
        pltpu.VMEM_SHARED((N_REL,), jnp.float32),
        pltpu.VMEM_SHARED((_NT * L,), jnp.float32),
        pltpu.VMEM_SHARED((_NT * L,), jnp.float32),
        pltpu.SemaphoreType.DMA,
        pltpu.SemaphoreType.DMA,
        pltpu.SemaphoreType.DMA,
    ],
    compiler_params=pltpu.CompilerParams(needs_layout_passes=False),
)
def _sc_middle(p_hbm, idx_hbm, coeff_hbm,
               p_v, idx_v, ones_v, seg_v, cnt_v, part_v, red_v, o2_v,
               s_sh, c_sh, w_sh, mx_sh, sm_sh, sem_p, sem_i, sem_sc):
    cid = lax.axis_index("c")
    sid = lax.axis_index("s")

    @pl.when(cid == 0)
    def _():
        tid = sid
        zeros = jnp.zeros((L,), jnp.float32)
        ones = jnp.full((L,), 1.0, jnp.float32)

        cp_p = pltpu.async_copy(
            p_hbm.at[pl.ds(tid * (_EPT // _CHUNK), _EPT // _CHUNK)],
            p_v, sem_p)
        cp_i = pltpu.async_copy(
            idx_hbm.at[pl.ds(tid * (_EPT // _CHUNK), _EPT // _CHUNK)],
            idx_v, sem_i)

        def fill_body(i, carry):
            j = i // (_CHUNK // L)
            k = i % (_CHUNK // L)
            ones_v[j, pl.ds(k * L, L)] = ones
            return carry

        lax.fori_loop(0, _EPT // L, fill_body, 0)

        def zseg_body(i, carry):
            seg_v[pl.ds(i * L, L)] = zeros
            return carry

        lax.fori_loop(0, _RPT // L, zseg_body, 0)
        pltpu.sync_copy(seg_v, s_sh.at[pl.ds(tid * _RPT, _RPT)])
        pltpu.sync_copy(seg_v, c_sh.at[pl.ds(tid * _RPT, _RPT)])
        cp_p.wait()
        cp_i.wait()
        plsc.subcore_barrier()

        descs = []
        for j in range(_EPT // _CHUNK):
            descs.append(pltpu.async_copy(
                p_v.at[j], s_sh.at[idx_v.at[j]], sem_sc, add=True))
            descs.append(pltpu.async_copy(
                ones_v.at[j], c_sh.at[idx_v.at[j]], sem_sc, add=True))
        for d in descs:
            d.wait()
        plsc.subcore_barrier()

        pltpu.sync_copy(s_sh.at[pl.ds(tid * _RPT, _RPT)], seg_v)
        pltpu.sync_copy(c_sh.at[pl.ds(tid * _RPT, _RPT)], cnt_v)

        def score_body(i, mx):
            cv = jnp.maximum(cnt_v[pl.ds(i * L, L)], 1.0)
            sc = seg_v[pl.ds(i * L, L)] / cv * INV_SQRT_D
            seg_v[pl.ds(i * L, L)] = sc
            cnt_v[pl.ds(i * L, L)] = cv
            return jnp.maximum(mx, sc)

        mx = lax.fori_loop(0, _RPT // L, score_body,
                           jnp.full((L,), -1e30, jnp.float32))
        lane0 = lax.iota(jnp.int32, L) == 0
        neg_v = jnp.full((L,), -1e30, jnp.float32)
        part_v[...] = jnp.where(lane0, jnp.full((L,), jnp.max(mx)), neg_v)
        pltpu.sync_copy(part_v, mx_sh.at[pl.ds(tid * L, L)])
        plsc.subcore_barrier()
        pltpu.sync_copy(mx_sh, red_v)

        def gmax_body(i, mx2):
            return jnp.maximum(mx2, red_v[pl.ds(i * L, L)])

        gmx = lax.fori_loop(0, _NT, gmax_body, neg_v)
        mx_s = jnp.full((L,), jnp.max(gmx))

        def exp_body(i, sm):
            e = jnp.exp(seg_v[pl.ds(i * L, L)] - mx_s)
            seg_v[pl.ds(i * L, L)] = e
            return sm + e

        sm = lax.fori_loop(0, _RPT // L, exp_body, zeros)
        part_v[...] = jnp.where(lane0, jnp.full((L,), jnp.sum(sm)), zeros)
        pltpu.sync_copy(part_v, sm_sh.at[pl.ds(tid * L, L)])
        plsc.subcore_barrier()
        pltpu.sync_copy(sm_sh, red_v)

        def gsum_body(i, acc):
            return acc + red_v[pl.ds(i * L, L)]

        gsm = lax.fori_loop(0, _NT, gsum_body, zeros)
        inv_sum = ones / jnp.full((L,), jnp.sum(gsm))

        def w_body(i, carry):
            seg_v[pl.ds(i * L, L)] = (seg_v[pl.ds(i * L, L)] * inv_sum
                                      / cnt_v[pl.ds(i * L, L)])
            return carry

        lax.fori_loop(0, _RPT // L, w_body, 0)
        pltpu.sync_copy(seg_v, w_sh.at[pl.ds(tid * _RPT, _RPT)])
        plsc.subcore_barrier()

        gdescs = []
        for j in range(_EPT // _CHUNK):
            gdescs.append(pltpu.async_copy(
                w_sh.at[idx_v.at[j]], o2_v.at[j], sem_sc))
        for d in gdescs:
            d.wait()
        pltpu.sync_copy(o2_v, coeff_hbm.at[pl.ds(tid * (_EPT // _CHUNK),
                                                 _EPT // _CHUNK)])


_OUT_G = 4
_OUT_B = N_EMB // _OUT_G


def _out_body(c_ref, e_ref, w_ref, o_ref, u_scr):
    @pl.when(pl.program_id(0) == 0)
    def _():
        u_scr[...] = jnp.zeros_like(u_scr)

    cb = c_ref[...].reshape(1, _OUT_B)
    u_scr[...] += jnp.dot(cb, e_ref[...],
                          preferred_element_type=jnp.float32,
                          precision=lax.Precision.DEFAULT)

    @pl.when(pl.program_id(0) == _OUT_G - 1)
    def _():
        o_ref[...] = jnp.dot(u_scr[...], w_ref[...],
                             preferred_element_type=jnp.float32,
                             precision=lax.Precision.DEFAULT).reshape(D)


_out_k = pl.pallas_call(
    _out_body,
    grid=(_OUT_G,),
    in_specs=[
        pl.BlockSpec((_OUT_B,), lambda i: (i,)),
        pl.BlockSpec((_OUT_B, D), lambda i: (i, 0)),
        pl.BlockSpec((D, D), lambda i: (0, 0)),
    ],
    out_specs=pl.BlockSpec((D,), lambda i: (0,)),
    out_shape=jax.ShapeDtypeStruct((D,), jnp.float32),
    scratch_shapes=[pltpu.VMEM((1, D), jnp.float32)],
)


@jax.jit
def kernel(out_embs, to_indices, query_rel, W):
    p = _proj(query_rel, W, out_embs)
    idx = to_indices.astype(jnp.int32)
    coeff = _sc_middle(p.reshape(N_EMB // _CHUNK, _CHUNK),
                       idx.reshape(N_EMB // _CHUNK, _CHUNK))
    return _out_k(coeff.reshape(N_EMB), out_embs, W)

# --- scband reference (transcript-rebuilt; emitter-appended) ---
"""Pipeline reference for scband-model-84387517432580 (READ-ONLY COPY).

The authoritative reference and input builder live on the scoring server;
editing this copy changes nothing except your own understanding.
"""

import jax, jax.numpy as jnp
import numpy as np

N_EMB = 8192   # number of encoded relation mentions (tokens routed)
N_REL = 4096   # dim_size of scatter_mean (distinct relations in batch)
D = 1024       # args.dim_rel


def setup_inputs(seed: int = 0) -> dict:
    key = jax.random.key(seed)
    k1, k2, k3, k4 = jax.random.split(key, 4)
    out_embs = jax.random.normal(k1, (N_EMB, D), dtype=jnp.float32)
    to_indices = jax.random.randint(k2, (N_EMB,), 0, N_REL)
    query_rel = jax.random.normal(k3, (D,), dtype=jnp.float32)
    # learned parameter: final projection of the mention encoder (stands in for
    # Path_Encoder / Binarized_Relation_Encoder output layer)
    W = jax.random.normal(k4, (D, D), dtype=jnp.float32) * 0.02
    return {"out_embs": out_embs, "to_indices": to_indices, "query_rel": query_rel, "W": W}


def reference(out_embs, to_indices, query_rel, W):
    # encoder projection (dense compute per routed token)
    embs = out_embs @ W
    # scatter_mean(out_embs, to_indices, dim=0, dim_size=N_REL) from Model.encode
    sums = jax.ops.segment_sum(embs, to_indices, num_segments=N_REL)
    counts = jax.ops.segment_sum(jnp.ones((embs.shape[0],), dtype=embs.dtype), to_indices, num_segments=N_REL)
    rel = sums / jnp.clip(counts, 1.0)[:, None]
    # Model.aggregate with mode == 'scaled-attention'
    score = jnp.sum(rel * query_rel[None, :], axis=1)
    score = score / (query_rel.shape[0] ** 0.5)
    weight = jax.nn.softmax(score, axis=0)[:, None]
    out = jnp.sum(rel * weight, axis=0)
    return out

if __name__ == "__main__":
    import jax
    _d = setup_inputs()
    print(jax.jit(kernel)(*tuple(_d.values())))

</pallas_src>

<mosaic_0001>
#map = affine_map<(d0, d1) -> (0, 0)>
module attributes {stable_mosaic.version = 14 : i64} {
  func.func @_sc_middle(%arg0: i32, %arg1: i32, %arg2: memref<64x128xf32, #tpu.memory_space<hbm>>, %arg3: memref<64x128xi32, #tpu.memory_space<hbm>>, %arg4: memref<64x128xf32, #tpu.memory_space<hbm>>, %arg5: memref<4x128xf32, #tpu.memory_space<vmem>>, %arg6: memref<4x128xi32, #tpu.memory_space<vmem>>, %arg7: memref<4x128xf32, #tpu.memory_space<vmem>>, %arg8: memref<256xf32, #tpu.memory_space<vmem>>, %arg9: memref<256xf32, #tpu.memory_space<vmem>>, %arg10: memref<16xf32, #tpu.memory_space<vmem>>, %arg11: memref<256xf32, #tpu.memory_space<vmem>>, %arg12: memref<4x128xf32, #tpu.memory_space<vmem>>, %arg13: memref<4096xf32, #tpu.memory_space<vmem_shared>>, %arg14: memref<4096xf32, #tpu.memory_space<vmem_shared>>, %arg15: memref<4096xf32, #tpu.memory_space<vmem_shared>>, %arg16: memref<256xf32, #tpu.memory_space<vmem_shared>>, %arg17: memref<256xf32, #tpu.memory_space<vmem_shared>>, %arg18: memref<!tpu.dma_semaphore, #tpu.memory_space<semaphore_mem>>, %arg19: memref<!tpu.dma_semaphore, #tpu.memory_space<semaphore_mem>>, %arg20: memref<!tpu.dma_semaphore, #tpu.memory_space<semaphore_mem>>) attributes {dimension_semantics = [#tpu.dimension_semantics<core_parallel>, #tpu.dimension_semantics<subcore_parallel>], iteration_bounds = array<i64: 2, 16>, scalar_prefetch = 0 : i64, scratch_operands = 16 : i64, tpu.core_type = #tpu.core_type<sc_vector_subcore>, window_params = [{transform_indices = #map}, {transform_indices = #map}, {transform_indices = #map}]} {
    %eq3A = arith.constant 0 : i32
    %eq3A_0 = arith.cmpi eq, %arg0, %eq3A : i32
    %convert_element_type3A = arith.extui %eq3A_0 : i1 to i32
    %cond3A = arith.constant 0 : i32
    %cond3A_1 = arith.cmpi ne, %convert_element_type3A, %cond3A : i32
    scf.if %cond3A_1 {
      %broadcast_in_dim3A = arith.constant 0.000000e+00 : f32
      %broadcast_in_dim3A_2 = vector.broadcast %broadcast_in_dim3A : f32 to vector<16xf32>
      %broadcast_in_dim3A_3 = arith.constant 1.000000e+00 : f32
      %broadcast_in_dim3A_4 = vector.broadcast %broadcast_in_dim3A_3 : f32 to vector<16xf32>
      %mul3A = arith.constant 4 : i32
      %mul3A_5 = arith.muli %arg1, %mul3A : i32
      %dma_start3A = arith.constant 0 : i32
      %dma_start3A_6 = tpu.memref_slice %arg2[%mul3A_5, %dma_start3A] : memref<64x128xf32, #tpu.memory_space<hbm>> -> memref<4x128xf32, #tpu.memory_space<hbm>>
      %dma_start3A_7 = arith.constant 0 : i32
      %dma_start3A_8 = tpu.memref_slice %arg2[%mul3A_5, %dma_start3A_7] : memref<64x128xf32, #tpu.memory_space<hbm>> -> memref<4x128xf32, #tpu.memory_space<hbm>>
      tpu.enqueue_dma source(%dma_start3A_8 : memref<4x128xf32, #tpu.memory_space<hbm>>) target(%arg5 : memref<4x128xf32, #tpu.memory_space<vmem>>) target_semaphore(%arg18 : memref<!tpu.dma_semaphore, #tpu.memory_space<semaphore_mem>>)
      %mul3A_9 = arith.constant 4 : i32
      %mul3A_10 = arith.muli %arg1, %mul3A_9 : i32
      %dma_start3A_11 = arith.constant 0 : i32
      %dma_start3A_12 = tpu.memref_slice %arg3[%mul3A_10, %dma_start3A_11] : memref<64x128xi32, #tpu.memory_space<hbm>> -> memref<4x128xi32, #tpu.memory_space<hbm>>
      %dma_start3A_13 = arith.constant 0 : i32
      %dma_start3A_14 = tpu.memref_slice %arg3[%mul3A_10, %dma_start3A_13] : memref<64x128xi32, #tpu.memory_space<hbm>> -> memref<4x128xi32, #tpu.memory_space<hbm>>
      tpu.enqueue_dma source(%dma_start3A_14 : memref<4x128xi32, #tpu.memory_space<hbm>>) target(%arg6 : memref<4x128xi32, #tpu.memory_space<vmem>>) target_semaphore(%arg19 : memref<!tpu.dma_semaphore, #tpu.memory_space<semaphore_mem>>)
      %scan3A = arith.constant 0 : i32
      %scan3A_15 = arith.constant 0 : i32
      %scan3A_16 = arith.constant 32 : i32
      %scan3A_17 = arith.addi %scan3A_15, %scan3A_16 : i32
      %scan3A_18 = arith.constant 1 : i32
      scf.for %scan3A_352 = %scan3A_15 to %scan3A_17 step %scan3A_18  : i32 {
        %jit3A = arith.constant 8 : i32
        %div3A_353 = arith.divsi %scan3A_352, %jit3A : i32
        %sign3A = arith.constant 0 : i32
        %sign3A_354 = arith.cmpi sgt, %scan3A_352, %sign3A : i32
        %sign3A_355 = arith.extui %sign3A_354 : i1 to i32
        %sign3A_356 = arith.constant 0 : i32
        %sign3A_357 = arith.cmpi slt, %scan3A_352, %sign3A_356 : i32
        %sign3A_358 = arith.extui %sign3A_357 : i1 to i32
        %sign3A_359 = arith.subi %sign3A_355, %sign3A_358 : i32
        %sign3A_360 = arith.constant 0 : i32
        %sign3A_361 = arith.cmpi sgt, %jit3A, %sign3A_360 : i32
        %sign3A_362 = arith.extui %sign3A_361 : i1 to i32
        %sign3A_363 = arith.constant 0 : i32
        %sign3A_364 = arith.cmpi slt, %jit3A, %sign3A_363 : i32
        %sign3A_365 = arith.extui %sign3A_364 : i1 to i32
        %sign3A_366 = arith.subi %sign3A_362, %sign3A_365 : i32
        %ne3A = arith.cmpi ne, %sign3A_359, %sign3A_366 : i32
        %rem3A = arith.remsi %scan3A_352, %jit3A : i32
        %ne3A_367 = arith.constant 0 : i32
        %ne3A_368 = arith.cmpi ne, %rem3A, %ne3A_367 : i32
        %and3A = arith.andi %ne3A, %ne3A_368 : i1
        %sub3A = arith.constant 1 : i32
        %sub3A_369 = arith.subi %div3A_353, %sub3A : i32
        %select_n3A_370 = arith.select %and3A, %sub3A_369, %div3A_353 : i32
        %jit3A_371 = arith.constant 8 : i32
        %eq3A_372 = arith.constant 0 : i32
        %eq3A_373 = arith.cmpi eq, %jit3A_371, %eq3A_372 : i32
        %jit3A_374 = arith.constant 1 : i32
        %select_n3A_375 = arith.select %eq3A_373, %jit3A_374, %jit3A_371 : i32
        %rem3A_376 = arith.remsi %scan3A_352, %select_n3A_375 : i32
        %ne3A_377 = arith.constant 0 : i32
        %ne3A_378 = arith.cmpi ne, %rem3A_376, %ne3A_377 : i32
        %lt3A = arith.constant 0 : i32
        %lt3A_379 = arith.cmpi slt, %rem3A_376, %lt3A : i32
        %lt3A_380 = arith.constant 0 : i32
        %lt3A_381 = arith.cmpi slt, %select_n3A_375, %lt3A_380 : i32
        %ne3A_382 = arith.xori %lt3A_379, %lt3A_381 : i1
        %and3A_383 = arith.andi %ne3A_382, %ne3A_378 : i1
        %add3A = arith.addi %rem3A_376, %select_n3A_375 : i32
        %select_n3A_384 = arith.select %and3A_383, %add3A, %rem3A_376 : i32
        %mul3A_385 = arith.constant 16 : i32
        %mul3A_386 = arith.muli %select_n3A_384, %mul3A_385 : i32
        %swap3A_387 = arith.index_cast %select_n3A_370 : i32 to index
        %swap3A_388 = arith.index_cast %mul3A_386 : i32 to index
        %swap3A_389 = tpu.vector_load %arg7[%swap3A_387, %swap3A_388] {strides = array<i32>} : memref<4x128xf32, #tpu.memory_space<vmem>>, vector<16xf32>,
        tpu.vector_store %arg7[%swap3A_387, %swap3A_388], %broadcast_in_dim3A_4 {strides = array<i32>} : memref<4x128xf32, #tpu.memory_space<vmem>>, vector<16xf32>,
      }
      %scan3A_19 = arith.constant 32 : i32
      %scan3A_20 = arith.constant 0 : i32
      %scan3A_21 = arith.constant 0 : i32
      %scan3A_22 = arith.constant 16 : i32
      %scan3A_23 = arith.addi %scan3A_21, %scan3A_22 : i32
      %scan3A_24 = arith.constant 1 : i32
      scf.for %scan3A_352 = %scan3A_21 to %scan3A_23 step %scan3A_24  : i32 {
        %mul3A_353 = arith.constant 16 : i32
        %mul3A_354 = arith.muli %scan3A_352, %mul3A_353 : i32
        %swap3A_355 = arith.index_cast %mul3A_354 : i32 to index
        %swap3A_356 = tpu.vector_load %arg8[%swap3A_355] {strides = array<i32>} : memref<256xf32, #tpu.memory_space<vmem>>, vector<16xf32>,
        tpu.vector_store %arg8[%swap3A_355], %broadcast_in_dim3A_2 {strides = array<i32>} : memref<256xf32, #tpu.memory_space<vmem>>, vector<16xf32>,
      }
      %scan3A_25 = arith.constant 16 : i32
      %mul3A_26 = arith.constant 256 : i32
      %mul3A_27 = arith.muli %arg1, %mul3A_26 : i32
      "tpu.region"() ({
        %run_scoped3A = tpu.sem_alloc : memref<!tpu.dma_semaphore, #tpu.memory_space<semaphore_mem>>
        %dma_start3A_352 = tpu.memref_slice %arg13[%mul3A_27] : memref<4096xf32, #tpu.memory_space<vmem_shared>> -> memref<256xf32, #tpu.memory_space<vmem_shared>>
        %dma_start3A_353 = tpu.memref_slice %arg13[%mul3A_27] : memref<4096xf32, #tpu.memory_space<vmem_shared>> -> memref<256xf32, #tpu.memory_space<vmem_shared>>
        tpu.enqueue_dma source(%arg8 : memref<256xf32, #tpu.memory_space<vmem>>) target(%dma_start3A_353 : memref<256xf32, #tpu.memory_space<vmem_shared>>) target_semaphore(%run_scoped3A : memref<!tpu.dma_semaphore, #tpu.memory_space<semaphore_mem>>)
        %dma_wait3A_354 = tpu.memref_slice %arg13[%mul3A_27] : memref<4096xf32, #tpu.memory_space<vmem_shared>> -> memref<256xf32, #tpu.memory_space<vmem_shared>>
        %dma_wait3A_355 = tpu.memref_slice %arg13[%mul3A_27] : memref<4096xf32, #tpu.memory_space<vmem_shared>> -> memref<256xf32, #tpu.memory_space<vmem_shared>>
        tpu.wait_dma2 semaphore(%run_scoped3A : memref<!tpu.dma_semaphore, #tpu.memory_space<semaphore_mem>>) src(%arg8 : memref<256xf32, #tpu.memory_space<vmem>>) dst(%dma_wait3A_355 : memref<256xf32, #tpu.memory_space<vmem_shared>>)
        tpu.yield
      }) : () -> ()
      %mul3A_28 = arith.constant 256 : i32
      %mul3A_29 = arith.muli %arg1, %mul3A_28 : i32
      "tpu.region"() ({
        %run_scoped3A = tpu.sem_alloc : memref<!tpu.dma_semaphore, #tpu.memory_space<semaphore_mem>>
        %dma_start3A_352 = tpu.memref_slice %arg14[%mul3A_29] : memref<4096xf32, #tpu.memory_space<vmem_shared>> -> memref<256xf32, #tpu.memory_space<vmem_shared>>
        %dma_start3A_353 = tpu.memref_slice %arg14[%mul3A_29] : memref<4096xf32, #tpu.memory_space<vmem_shared>> -> memref<256xf32, #tpu.memory_space<vmem_shared>>
        tpu.enqueue_dma source(%arg8 : memref<256xf32, #tpu.memory_space<vmem>>) target(%dma_start3A_353 : memref<256xf32, #tpu.memory_space<vmem_shared>>) target_semaphore(%run_scoped3A : memref<!tpu.dma_semaphore, #tpu.memory_space<semaphore_mem>>)
        %dma_wait3A_354 = tpu.memref_slice %arg14[%mul3A_29] : memref<4096xf32, #tpu.memory_space<vmem_shared>> -> memref<256xf32, #tpu.memory_space<vmem_shared>>
        %dma_wait3A_355 = tpu.memref_slice %arg14[%mul3A_29] : memref<4096xf32, #tpu.memory_space<vmem_shared>> -> memref<256xf32, #tpu.memory_space<vmem_shared>>
        tpu.wait_dma2 semaphore(%run_scoped3A : memref<!tpu.dma_semaphore, #tpu.memory_space<semaphore_mem>>) src(%arg8 : memref<256xf32, #tpu.memory_space<vmem>>) dst(%dma_wait3A_355 : memref<256xf32, #tpu.memory_space<vmem_shared>>)
        tpu.yield
      }) : () -> ()
      %dma_wait3A = arith.constant 0 : i32
      %dma_wait3A_30 = tpu.memref_slice %arg2[%mul3A_5, %dma_wait3A] : memref<64x128xf32, #tpu.memory_space<hbm>> -> memref<4x128xf32, #tpu.memory_space<hbm>>
      %dma_wait3A_31 = arith.constant 0 : i32
      %dma_wait3A_32 = tpu.memref_slice %arg2[%mul3A_5, %dma_wait3A_31] : memref<64x128xf32, #tpu.memory_space<hbm>> -> memref<4x128xf32, #tpu.memory_space<hbm>>
      tpu.wait_dma2 semaphore(%arg18 : memref<!tpu.dma_semaphore, #tpu.memory_space<semaphore_mem>>) src(%dma_wait3A_32 : memref<4x128xf32, #tpu.memory_space<hbm>>) dst(%arg5 : memref<4x128xf32, #tpu.memory_space<vmem>>)
      %dma_wait3A_33 = arith.constant 0 : i32
      %dma_wait3A_34 = tpu.memref_slice %arg3[%mul3A_10, %dma_wait3A_33] : memref<64x128xi32, #tpu.memory_space<hbm>> -> memref<4x128xi32, #tpu.memory_space<hbm>>
      %dma_wait3A_35 = arith.constant 0 : i32
      %dma_wait3A_36 = tpu.memref_slice %arg3[%mul3A_10, %dma_wait3A_35] : memref<64x128xi32, #tpu.memory_space<hbm>> -> memref<4x128xi32, #tpu.memory_space<hbm>>
      tpu.wait_dma2 semaphore(%arg19 : memref<!tpu.dma_semaphore, #tpu.memory_space<semaphore_mem>>) src(%dma_wait3A_36 : memref<4x128xi32, #tpu.memory_space<hbm>>) dst(%arg6 : memref<4x128xi32, #tpu.memory_space<vmem>>)
      %barrier3A = arith.constant 0 : index
      tpu.barrier barrier_id(%barrier3A)
      %dma_start3A_37 = arith.constant 0 : i32
      %dma_start3A_38 = arith.constant 0 : i32
      %dma_start3A_39 = arith.constant 0 : i32
      %dma_start3A_40 = tpu.memref_slice %arg5[%dma_start3A_37, %dma_start3A_39] : memref<4x128xf32, #tpu.memory_space<vmem>> -> memref<1x128xf32, #tpu.memory_space<vmem>>
      %dma_start3A_41 = tpu.memref_squeeze %dma_start3A_40 : memref<1x128xf32, #tpu.memory_space<vmem>> -> memref<128xf32, #tpu.memory_space<vmem>>
      %dma_start3A_42 = arith.constant 0 : i32
      %dma_start3A_43 = tpu.memref_slice %arg6[%dma_start3A_38, %dma_start3A_42] : memref<4x128xi32, #tpu.memory_space<vmem>> -> memref<1x128xi32, #tpu.memory_space<vmem>>
      %dma_start3A_44 = tpu.memref_squeeze %dma_start3A_43 : memref<1x128xi32, #tpu.memory_space<vmem>> -> memref<128xi32, #tpu.memory_space<vmem>>
      %dma_start3A_45 = arith.constant 0 : i32
      %dma_start3A_46 = tpu.memref_slice %arg13[%dma_start3A_45] : memref<4096xf32, #tpu.memory_space<vmem_shared>> -> memref<4096xf32, #tpu.memory_space<vmem_shared>>
      tpu.enqueue_indirect_dma source(%dma_start3A_41 : memref<128xf32, #tpu.memory_space<vmem>>) target(%dma_start3A_46 : memref<4096xf32, #tpu.memory_space<vmem_shared>>) offsets(%dma_start3A_44 : memref<128xi32, #tpu.memory_space<vmem>>) semaphore(%arg20 : memref<!tpu.dma_semaphore, #tpu.memory_space<semaphore_mem>>) {add = true}
      %dma_start3A_47 = arith.constant 0 : i32
      %dma_start3A_48 = arith.constant 0 : i32
      %dma_start3A_49 = arith.constant 0 : i32
      %dma_start3A_50 = tpu.memref_slice %arg7[%dma_start3A_47, %dma_start3A_49] : memref<4x128xf32, #tpu.memory_space<vmem>> -> memref<1x128xf32, #tpu.memory_space<vmem>>
      %dma_start3A_51 = tpu.memref_squeeze %dma_start3A_50 : memref<1x128xf32, #tpu.memory_space<vmem>> -> memref<128xf32, #tpu.memory_space<vmem>>
      %dma_start3A_52 = arith.constant 0 : i32
      %dma_start3A_53 = tpu.memref_slice %arg6[%dma_start3A_48, %dma_start3A_52] : memref<4x128xi32, #tpu.memory_space<vmem>> -> memref<1x128xi32, #tpu.memory_space<vmem>>
      %dma_start3A_54 = tpu.memref_squeeze %dma_start3A_53 : memref<1x128xi32, #tpu.memory_space<vmem>> -> memref<128xi32, #tpu.memory_space<vmem>>
      %dma_start3A_55 = arith.constant 0 : i32
      %dma_start3A_56 = tpu.memref_slice %arg14[%dma_start3A_55] : memref<4096xf32, #tpu.memory_space<vmem_shared>> -> memref<4096xf32, #tpu.memory_space<vmem_shared>>
      tpu.enqueue_indirect_dma source(%dma_start3A_51 : memref<128xf32, #tpu.memory_space<vmem>>) target(%dma_start3A_56 : memref<4096xf32, #tpu.memory_space<vmem_shared>>) offsets(%dma_start3A_54 : memref<128xi32, #tpu.memory_space<vmem>>) semaphore(%arg20 : memref<!tpu.dma_semaphore, #tpu.memory_space<semaphore_mem>>) {add = true}
      %dma_start3A_57 = arith.constant 1 : i32
      %dma_start3A_58 = arith.constant 1 : i32
      %dma_start3A_59 = arith.constant 0 : i32
      %dma_start3A_60 = tpu.memref_slice %arg5[%dma_start3A_57, %dma_start3A_59] : memref<4x128xf32, #tpu.memory_space<vmem>> -> memref<1x128xf32, #tpu.memory_space<vmem>>
      %dma_start3A_61 = tpu.memref_squeeze %dma_start3A_60 : memref<1x128xf32, #tpu.memory_space<vmem>> -> memref<128xf32, #tpu.memory_space<vmem>>
      %dma_start3A_62 = arith.constant 0 : i32
      %dma_start3A_63 = tpu.memref_slice %arg6[%dma_start3A_58, %dma_start3A_62] : memref<4x128xi32, #tpu.memory_space<vmem>> -> memref<1x128xi32, #tpu.memory_space<vmem>>
      %dma_start3A_64 = tpu.memref_squeeze %dma_start3A_63 : memref<1x128xi32, #tpu.memory_space<vmem>> -> memref<128xi32, #tpu.memory_space<vmem>>
      %dma_start3A_65 = arith.constant 0 : i32
      %dma_start3A_66 = tpu.memref_slice %arg13[%dma_start3A_65] : memref<4096xf32, #tpu.memory_space<vmem_shared>> -> memref<4096xf32, #tpu.memory_space<vmem_shared>>
      tpu.enqueue_indirect_dma source(%dma_start3A_61 : memref<128xf32, #tpu.memory_space<vmem>>) target(%dma_start3A_66 : memref<4096xf32, #tpu.memory_space<vmem_shared>>) offsets(%dma_start3A_64 : memref<128xi32, #tpu.memory_space<vmem>>) semaphore(%arg20 : memref<!tpu.dma_semaphore, #tpu.memory_space<semaphore_mem>>) {add = true}
      %dma_start3A_67 = arith.constant 1 : i32
      %dma_start3A_68 = arith.constant 1 : i32
      %dma_start3A_69 = arith.constant 0 : i32
      %dma_start3A_70 = tpu.memref_slice %arg7[%dma_start3A_67, %dma_start3A_69] : memref<4x128xf32, #tpu.memory_space<vmem>> -> memref<1x128xf32, #tpu.memory_space<vmem>>
      %dma_start3A_71 = tpu.memref_squeeze %dma_start3A_70 : memref<1x128xf32, #tpu.memory_space<vmem>> -> memref<128xf32, #tpu.memory_space<vmem>>
      %dma_start3A_72 = arith.constant 0 : i32
      %dma_start3A_73 = tpu.memref_slice %arg6[%dma_start3A_68, %dma_start3A_72] : memref<4x128xi32, #tpu.memory_space<vmem>> -> memref<1x128xi32, #tpu.memory_space<vmem>>
      %dma_start3A_74 = tpu.memref_squeeze %dma_start3A_73 : memref<1x128xi32, #tpu.memory_space<vmem>> -> memref<128xi32, #tpu.memory_space<vmem>>
      %dma_start3A_75 = arith.constant 0 : i32
      %dma_start3A_76 = tpu.memref_slice %arg14[%dma_start3A_75] : memref<4096xf32, #tpu.memory_space<vmem_shared>> -> memref<4096xf32, #tpu.memory_space<vmem_shared>>
      tpu.enqueue_indirect_dma source(%dma_start3A_71 : memref<128xf32, #tpu.memory_space<vmem>>) target(%dma_start3A_76 : memref<4096xf32, #tpu.memory_space<vmem_shared>>) offsets(%dma_start3A_74 : memref<128xi32, #tpu.memory_space<vmem>>) semaphore(%arg20 : memref<!tpu.dma_semaphore, #tpu.memory_space<semaphore_mem>>) {add = true}
      %dma_start3A_77 = arith.constant 2 : i32
      %dma_start3A_78 = arith.constant 2 : i32
      %dma_start3A_79 = arith.constant 0 : i32
      %dma_start3A_80 = tpu.memref_slice %arg5[%dma_start3A_77, %dma_start3A_79] : memref<4x128xf32, #tpu.memory_space<vmem>> -> memref<1x128xf32, #tpu.memory_space<vmem>>
      %dma_start3A_81 = tpu.memref_squeeze %dma_start3A_80 : memref<1x128xf32, #tpu.memory_space<vmem>> -> memref<128xf32, #tpu.memory_space<vmem>>
      %dma_start3A_82 = arith.constant 0 : i32
      %dma_start3A_83 = tpu.memref_slice %arg6[%dma_start3A_78, %dma_start3A_82] : memref<4x128xi32, #tpu.memory_space<vmem>> -> memref<1x128xi32, #tpu.memory_space<vmem>>
      %dma_start3A_84 = tpu.memref_squeeze %dma_start3A_83 : memref<1x128xi32, #tpu.memory_space<vmem>> -> memref<128xi32, #tpu.memory_space<vmem>>
      %dma_start3A_85 = arith.constant 0 : i32
      %dma_start3A_86 = tpu.memref_slice %arg13[%dma_start3A_85] : memref<4096xf32, #tpu.memory_space<vmem_shared>> -> memref<4096xf32, #tpu.memory_space<vmem_shared>>
      tpu.enqueue_indirect_dma source(%dma_start3A_81 : memref<128xf32, #tpu.memory_space<vmem>>) target(%dma_start3A_86 : memref<4096xf32, #tpu.memory_space<vmem_shared>>) offsets(%dma_start3A_84 : memref<128xi32, #tpu.memory_space<vmem>>) semaphore(%arg20 : memref<!tpu.dma_semaphore, #tpu.memory_space<semaphore_mem>>) {add = true}
      %dma_start3A_87 = arith.constant 2 : i32
      %dma_start3A_88 = arith.constant 2 : i32
      %dma_start3A_89 = arith.constant 0 : i32
      %dma_start3A_90 = tpu.memref_slice %arg7[%dma_start3A_87, %dma_start3A_89] : memref<4x128xf32, #tpu.memory_space<vmem>> -> memref<1x128xf32, #tpu.memory_space<vmem>>
      %dma_start3A_91 = tpu.memref_squeeze %dma_start3A_90 : memref<1x128xf32, #tpu.memory_space<vmem>> -> memref<128xf32, #tpu.memory_space<vmem>>
      %dma_start3A_92 = arith.constant 0 : i32
      %dma_start3A_93 = tpu.memref_slice %arg6[%dma_start3A_88, %dma_start3A_92] : memref<4x128xi32, #tpu.memory_space<vmem>> -> memref<1x128xi32, #tpu.memory_space<vmem>>
      %dma_start3A_94 = tpu.memref_squeeze %dma_start3A_93 : memref<1x128xi32, #tpu.memory_space<vmem>> -> memref<128xi32, #tpu.memory_space<vmem>>
      %dma_start3A_95 = arith.constant 0 : i32
      %dma_start3A_96 = tpu.memref_slice %arg14[%dma_start3A_95] : memref<4096xf32, #tpu.memory_space<vmem_shared>> -> memref<4096xf32, #tpu.memory_space<vmem_shared>>
      tpu.enqueue_indirect_dma source(%dma_start3A_91 : memref<128xf32, #tpu.memory_space<vmem>>) target(%dma_start3A_96 : memref<4096xf32, #tpu.memory_space<vmem_shared>>) offsets(%dma_start3A_94 : memref<128xi32, #tpu.memory_space<vmem>>) semaphore(%arg20 : memref<!tpu.dma_semaphore, #tpu.memory_space<semaphore_mem>>) {add = true}
      %dma_start3A_97 = arith.constant 3 : i32
      %dma_start3A_98 = arith.constant 3 : i32
      %dma_start3A_99 = arith.constant 0 : i32
      %dma_start3A_100 = tpu.memref_slice %arg5[%dma_start3A_97, %dma_start3A_99] : memref<4x128xf32, #tpu.memory_space<vmem>> -> memref<1x128xf32, #tpu.memory_space<vmem>>
      %dma_start3A_101 = tpu.memref_squeeze %dma_start3A_100 : memref<1x128xf32, #tpu.memory_space<vmem>> -> memref<128xf32, #tpu.memory_space<vmem>>
      %dma_start3A_102 = arith.constant 0 : i32
      %dma_start3A_103 = tpu.memref_slice %arg6[%dma_start3A_98, %dma_start3A_102] : memref<4x128xi32, #tpu.memory_space<vmem>> -> memref<1x128xi32, #tpu.memory_space<vmem>>
      %dma_start3A_104 = tpu.memref_squeeze %dma_start3A_103 : memref<1x128xi32, #tpu.memory_space<vmem>> -> memref<128xi32, #tpu.memory_space<vmem>>
      %dma_start3A_105 = arith.constant 0 : i32
      %dma_start3A_106 = tpu.memref_slice %arg13[%dma_start3A_105] : memref<4096xf32, #tpu.memory_space<vmem_shared>> -> memref<4096xf32, #tpu.memory_space<vmem_shared>>
      tpu.enqueue_indirect_dma source(%dma_start3A_101 : memref<128xf32, #tpu.memory_space<vmem>>) target(%dma_start3A_106 : memref<4096xf32, #tpu.memory_space<vmem_shared>>) offsets(%dma_start3A_104 : memref<128xi32, #tpu.memory_space<vmem>>) semaphore(%arg20 : memref<!tpu.dma_semaphore, #tpu.memory_space<semaphore_mem>>) {add = true}
      %dma_start3A_107 = arith.constant 3 : i32
      %dma_start3A_108 = arith.constant 3 : i32
      %dma_start3A_109 = arith.constant 0 : i32
      %dma_start3A_110 = tpu.memref_slice %arg7[%dma_start3A_107, %dma_start3A_109] : memref<4x128xf32, #tpu.memory_space<vmem>> -> memref<1x128xf32, #tpu.memory_space<vmem>>
      %dma_start3A_111 = tpu.memref_squeeze %dma_start3A_110 : memref<1x128xf32, #tpu.memory_space<vmem>> -> memref<128xf32, #tpu.memory_space<vmem>>
      %dma_start3A_112 = arith.constant 0 : i32
      %dma_start3A_113 = tpu.memref_slice %arg6[%dma_start3A_108, %dma_start3A_112] : memref<4x128xi32, #tpu.memory_space<vmem>> -> memref<1x128xi32, #tpu.memory_space<vmem>>
      %dma_start3A_114 = tpu.memref_squeeze %dma_start3A_113 : memref<1x128xi32, #tpu.memory_space<vmem>> -> memref<128xi32, #tpu.memory_space<vmem>>
      %dma_start3A_115 = arith.constant 0 : i32
      %dma_start3A_116 = tpu.memref_slice %arg14[%dma_start3A_115] : memref<4096xf32, #tpu.memory_space<vmem_shared>> -> memref<4096xf32, #tpu.memory_space<vmem_shared>>
      tpu.enqueue_indirect_dma source(%dma_start3A_111 : memref<128xf32, #tpu.memory_space<vmem>>) target(%dma_start3A_116 : memref<4096xf32, #tpu.memory_space<vmem_shared>>) offsets(%dma_start3A_114 : memref<128xi32, #tpu.memory_space<vmem>>) semaphore(%arg20 : memref<!tpu.dma_semaphore, #tpu.memory_space<semaphore_mem>>) {add = true}
      %dma_wait3A_117 = arith.constant 0 : i32
      %dma_wait3A_118 = arith.constant 0 : i32
      %dma_wait3A_119 = arith.constant 0 : i32
      %dma_wait3A_120 = tpu.memref_slice %arg5[%dma_wait3A_117, %dma_wait3A_119] : memref<4x128xf32, #tpu.memory_space<vmem>> -> memref<1x128xf32, #tpu.memory_space<vmem>>
      %dma_wait3A_121 = tpu.memref_squeeze %dma_wait3A_120 : memref<1x128xf32, #tpu.memory_space<vmem>> -> memref<128xf32, #tpu.memory_space<vmem>>
      %dma_wait3A_122 = arith.constant 0 : i32
      %dma_wait3A_123 = tpu.memref_slice %arg6[%dma_wait3A_118, %dma_wait3A_122] : memref<4x128xi32, #tpu.memory_space<vmem>> -> memref<1x128xi32, #tpu.memory_space<vmem>>
      %dma_wait3A_124 = tpu.memref_squeeze %dma_wait3A_123 : memref<1x128xi32, #tpu.memory_space<vmem>> -> memref<128xi32, #tpu.memory_space<vmem>>
      %dma_wait3A_125 = arith.constant 0 : i32
      %dma_wait3A_126 = tpu.memref_slice %arg13[%dma_wait3A_125] : memref<4096xf32, #tpu.memory_space<vmem_shared>> -> memref<4096xf32, #tpu.memory_space<vmem_shared>>
      tpu.wait_indirect_dma semaphore(%arg20 : memref<!tpu.dma_semaphore, #tpu.memory_space<semaphore_mem>>) src(%dma_wait3A_121 : memref<128xf32, #tpu.memory_space<vmem>>) dst(%dma_wait3A_126 : memref<4096xf32, #tpu.memory_space<vmem_shared>>)
      %dma_wait3A_127 = arith.constant 0 : i32
      %dma_wait3A_128 = arith.constant 0 : i32
      %dma_wait3A_129 = arith.constant 0 : i32
      %dma_wait3A_130 = tpu.memref_slice %arg7[%dma_wait3A_127, %dma_wait3A_129] : memref<4x128xf32, #tpu.memory_space<vmem>> -> memref<1x128xf32, #tpu.memory_space<vmem>>
      %dma_wait3A_131 = tpu.memref_squeeze %dma_wait3A_130 : memref<1x128xf32, #tpu.memory_space<vmem>> -> memref<128xf32, #tpu.memory_space<vmem>>
      %dma_wait3A_132 = arith.constant 0 : i32
      %dma_wait3A_133 = tpu.memref_slice %arg6[%dma_wait3A_128, %dma_wait3A_132] : memref<4x128xi32, #tpu.memory_space<vmem>> -> memref<1x128xi32, #tpu.memory_space<vmem>>
      %dma_wait3A_134 = tpu.memref_squeeze %dma_wait3A_133 : memref<1x128xi32, #tpu.memory_space<vmem>> -> memref<128xi32, #tpu.memory_space<vmem>>
      %dma_wait3A_135 = arith.constant 0 : i32
      %dma_wait3A_136 = tpu.memref_slice %arg14[%dma_wait3A_135] : memref<4096xf32, #tpu.memory_space<vmem_shared>> -> memref<4096xf32, #tpu.memory_space<vmem_shared>>
      tpu.wait_indirect_dma semaphore(%arg20 : memref<!tpu.dma_semaphore, #tpu.memory_space<semaphore_mem>>) src(%dma_wait3A_131 : memref<128xf32, #tpu.memory_space<vmem>>) dst(%dma_wait3A_136 : memref<4096xf32, #tpu.memory_space<vmem_shared>>)
      %dma_wait3A_137 = arith.constant 1 : i32
      %dma_wait3A_138 = arith.constant 1 : i32
      %dma_wait3A_139 = arith.constant 0 : i32
      %dma_wait3A_140 = tpu.memref_slice %arg5[%dma_wait3A_137, %dma_wait3A_139] : memref<4x128xf32, #tpu.memory_space<vmem>> -> memref<1x128xf32, #tpu.memory_space<vmem>>
      %dma_wait3A_141 = tpu.memref_squeeze %dma_wait3A_140 : memref<1x128xf32, #tpu.memory_space<vmem>> -> memref<128xf32, #tpu.memory_space<vmem>>
      %dma_wait3A_142 = arith.constant 0 : i32
      %dma_wait3A_143 = tpu.memref_slice %arg6[%dma_wait3A_138, %dma_wait3A_142] : memref<4x128xi32, #tpu.memory_space<vmem>> -> memref<1x128xi32, #tpu.memory_space<vmem>>
      %dma_wait3A_144 = tpu.memref_squeeze %dma_wait3A_143 : memref<1x128xi32, #tpu.memory_space<vmem>> -> memref<128xi32, #tpu.memory_space<vmem>>
      %dma_wait3A_145 = arith.constant 0 : i32
      %dma_wait3A_146 = tpu.memref_slice %arg13[%dma_wait3A_145] : memref<4096xf32, #tpu.memory_space<vmem_shared>> -> memref<4096xf32, #tpu.memory_space<vmem_shared>>
      tpu.wait_indirect_dma semaphore(%arg20 : memref<!tpu.dma_semaphore, #tpu.memory_space<semaphore_mem>>) src(%dma_wait3A_141 : memref<128xf32, #tpu.memory_space<vmem>>) dst(%dma_wait3A_146 : memref<4096xf32, #tpu.memory_space<vmem_shared>>)
      %dma_wait3A_147 = arith.constant 1 : i32
      %dma_wait3A_148 = arith.constant 1 : i32
      %dma_wait3A_149 = arith.constant 0 : i32
      %dma_wait3A_150 = tpu.memref_slice %arg7[%dma_wait3A_147, %dma_wait3A_149] : memref<4x128xf32, #tpu.memory_space<vmem>> -> memref<1x128xf32, #tpu.memory_space<vmem>>
      %dma_wait3A_151 = tpu.memref_squeeze %dma_wait3A_150 : memref<1x128xf32, #tpu.memory_space<vmem>> -> memref<128xf32, #tpu.memory_space<vmem>>
      %dma_wait3A_152 = arith.constant 0 : i32
      %dma_wait3A_153 = tpu.memref_slice %arg6[%dma_wait3A_148, %dma_wait3A_152] : memref<4x128xi32, #tpu.memory_space<vmem>> -> memref<1x128xi32, #tpu.memory_space<vmem>>
      %dma_wait3A_154 = tpu.memref_squeeze %dma_wait3A_153 : memref<1x128xi32, #tpu.memory_space<vmem>> -> memref<128xi32, #tpu.memory_space<vmem>>
      %dma_wait3A_155 = arith.constant 0 : i32
      %dma_wait3A_156 = tpu.memref_slice %arg14[%dma_wait3A_155] : memref<4096xf32, #tpu.memory_space<vmem_shared>> -> memref<4096xf32, #tpu.memory_space<vmem_shared>>
      tpu.wait_indirect_dma semaphore(%arg20 : memref<!tpu.dma_semaphore, #tpu.memory_space<semaphore_mem>>) src(%dma_wait3A_151 : memref<128xf32, #tpu.memory_space<vmem>>) dst(%dma_wait3A_156 : memref<4096xf32, #tpu.memory_space<vmem_shared>>)
      %dma_wait3A_157 = arith.constant 2 : i32
      %dma_wait3A_158 = arith.constant 2 : i32
      %dma_wait3A_159 = arith.constant 0 : i32
      %dma_wait3A_160 = tpu.memref_slice %arg5[%dma_wait3A_157, %dma_wait3A_159] : memref<4x128xf32, #tpu.memory_space<vmem>> -> memref<1x128xf32, #tpu.memory_space<vmem>>
      %dma_wait3A_161 = tpu.memref_squeeze %dma_wait3A_160 : memref<1x128xf32, #tpu.memory_space<vmem>> -> memref<128xf32, #tpu.memory_space<vmem>>
      %dma_wait3A_162 = arith.constant 0 : i32
      %dma_wait3A_163 = tpu.memref_slice %arg6[%dma_wait3A_158, %dma_wait3A_162] : memref<4x128xi32, #tpu.memory_space<vmem>> -> memref<1x128xi32, #tpu.memory_space<vmem>>
      %dma_wait3A_164 = tpu.memref_squeeze %dma_wait3A_163 : memref<1x128xi32, #tpu.memory_space<vmem>> -> memref<128xi32, #tpu.memory_space<vmem>>
      %dma_wait3A_165 = arith.constant 0 : i32
      %dma_wait3A_166 = tpu.memref_slice %arg13[%dma_wait3A_165] : memref<4096xf32, #tpu.memory_space<vmem_shared>> -> memref<4096xf32, #tpu.memory_space<vmem_shared>>
      tpu.wait_indirect_dma semaphore(%arg20 : memref<!tpu.dma_semaphore, #tpu.memory_space<semaphore_mem>>) src(%dma_wait3A_161 : memref<128xf32, #tpu.memory_space<vmem>>) dst(%dma_wait3A_166 : memref<4096xf32, #tpu.memory_space<vmem_shared>>)
      %dma_wait3A_167 = arith.constant 2 : i32
      %dma_wait3A_168 = arith.constant 2 : i32
      %dma_wait3A_169 = arith.constant 0 : i32
      %dma_wait3A_170 = tpu.memref_slice %arg7[%dma_wait3A_167, %dma_wait3A_169] : memref<4x128xf32, #tpu.memory_space<vmem>> -> memref<1x128xf32, #tpu.memory_space<vmem>>
      %dma_wait3A_171 = tpu.memref_squeeze %dma_wait3A_170 : memref<1x128xf32, #tpu.memory_space<vmem>> -> memref<128xf32, #tpu.memory_space<vmem>>
      %dma_wait3A_172 = arith.constant 0 : i32
      %dma_wait3A_173 = tpu.memref_slice %arg6[%dma_wait3A_168, %dma_wait3A_172] : memref<4x128xi32, #tpu.memory_space<vmem>> -> memref<1x128xi32, #tpu.memory_space<vmem>>
      %dma_wait3A_174 = tpu.memref_squeeze %dma_wait3A_173 : memref<1x128xi32, #tpu.memory_space<vmem>> -> memref<128xi32, #tpu.memory_space<vmem>>
      %dma_wait3A_175 = arith.constant 0 : i32
      %dma_wait3A_176 = tpu.memref_slice %arg14[%dma_wait3A_175] : memref<4096xf32, #tpu.memory_space<vmem_shared>> -> memref<4096xf32, #tpu.memory_space<vmem_shared>>
      tpu.wait_indirect_dma semaphore(%arg20 : memref<!tpu.dma_semaphore, #tpu.memory_space<semaphore_mem>>) src(%dma_wait3A_171 : memref<128xf32, #tpu.memory_space<vmem>>) dst(%dma_wait3A_176 : memref<4096xf32, #tpu.memory_space<vmem_shared>>)
      %dma_wait3A_177 = arith.constant 3 : i32
      %dma_wait3A_178 = arith.constant 3 : i32
      %dma_wait3A_179 = arith.constant 0 : i32
      %dma_wait3A_180 = tpu.memref_slice %arg5[%dma_wait3A_177, %dma_wait3A_179] : memref<4x128xf32, #tpu.memory_space<vmem>> -> memref<1x128xf32, #tpu.memory_space<vmem>>
      %dma_wait3A_181 = tpu.memref_squeeze %dma_wait3A_180 : memref<1x128xf32, #tpu.memory_space<vmem>> -> memref<128xf32, #tpu.memory_space<vmem>>
      %dma_wait3A_182 = arith.constant 0 : i32
      %dma_wait3A_183 = tpu.memref_slice %arg6[%dma_wait3A_178, %dma_wait3A_182] : memref<4x128xi32, #tpu.memory_space<vmem>> -> memref<1x128xi32, #tpu.memory_space<vmem>>
      %dma_wait3A_184 = tpu.memref_squeeze %dma_wait3A_183 : memref<1x128xi32, #tpu.memory_space<vmem>> -> memref<128xi32, #tpu.memory_space<vmem>>
      %dma_wait3A_185 = arith.constant 0 : i32
      %dma_wait3A_186 = tpu.memref_slice %arg13[%dma_wait3A_185] : memref<4096xf32, #tpu.memory_space<vmem_shared>> -> memref<4096xf32, #tpu.memory_space<vmem_shared>>
      tpu.wait_indirect_dma semaphore(%arg20 : memref<!tpu.dma_semaphore, #tpu.memory_space<semaphore_mem>>) src(%dma_wait3A_181 : memref<128xf32, #tpu.memory_space<vmem>>) dst(%dma_wait3A_186 : memref<4096xf32, #tpu.memory_space<vmem_shared>>)
      %dma_wait3A_187 = arith.constant 3 : i32
      %dma_wait3A_188 = arith.constant 3 : i32
      %dma_wait3A_189 = arith.constant 0 : i32
      %dma_wait3A_190 = tpu.memref_slice %arg7[%dma_wait3A_187, %dma_wait3A_189] : memref<4x128xf32, #tpu.memory_space<vmem>> -> memref<1x128xf32, #tpu.memory_space<vmem>>
      %dma_wait3A_191 = tpu.memref_squeeze %dma_wait3A_190 : memref<1x128xf32, #tpu.memory_space<vmem>> -> memref<128xf32, #tpu.memory_space<vmem>>
      %dma_wait3A_192 = arith.constant 0 : i32
      %dma_wait3A_193 = tpu.memref_slice %arg6[%dma_wait3A_188, %dma_wait3A_192] : memref<4x128xi32, #tpu.memory_space<vmem>> -> memref<1x128xi32, #tpu.memory_space<vmem>>
      %dma_wait3A_194 = tpu.memref_squeeze %dma_wait3A_193 : memref<1x128xi32, #tpu.memory_space<vmem>> -> memref<128xi32, #tpu.memory_space<vmem>>
      %dma_wait3A_195 = arith.constant 0 : i32
      %dma_wait3A_196 = tpu.memref_slice %arg14[%dma_wait3A_195] : memref<4096xf32, #tpu.memory_space<vmem_shared>> -> memref<4096xf32, #tpu.memory_space<vmem_shared>>
      tpu.wait_indirect_dma semaphore(%arg20 : memref<!tpu.dma_semaphore, #tpu.memory_space<semaphore_mem>>) src(%dma_wait3A_191 : memref<128xf32, #tpu.memory_space<vmem>>) dst(%dma_wait3A_196 : memref<4096xf32, #tpu.memory_space<vmem_shared>>)
      %barrier3A_197 = arith.constant 0 : index
      tpu.barrier barrier_id(%barrier3A_197)
      %mul3A_198 = arith.constant 256 : i32
      %mul3A_199 = arith.muli %arg1, %mul3A_198 : i32
      "tpu.region"() ({
        %run_scoped3A = tpu.sem_alloc : memref<!tpu.dma_semaphore, #tpu.memory_space<semaphore_mem>>
        %dma_start3A_352 = tpu.memref_slice %arg13[%mul3A_199] : memref<4096xf32, #tpu.memory_space<vmem_shared>> -> memref<256xf32, #tpu.memory_space<vmem_shared>>
        %dma_start3A_353 = tpu.memref_slice %arg13[%mul3A_199] : memref<4096xf32, #tpu.memory_space<vmem_shared>> -> memref<256xf32, #tpu.memory_space<vmem_shared>>
        tpu.enqueue_dma source(%dma_start3A_353 : memref<256xf32, #tpu.memory_space<vmem_shared>>) target(%arg8 : memref<256xf32, #tpu.memory_space<vmem>>) target_semaphore(%run_scoped3A : memref<!tpu.dma_semaphore, #tpu.memory_space<semaphore_mem>>)
        %dma_wait3A_354 = tpu.memref_slice %arg13[%mul3A_199] : memref<4096xf32, #tpu.memory_space<vmem_shared>> -> memref<256xf32, #tpu.memory_space<vmem_shared>>
        %dma_wait3A_355 = tpu.memref_slice %arg13[%mul3A_199] : memref<4096xf32, #tpu.memory_space<vmem_shared>> -> memref<256xf32, #tpu.memory_space<vmem_shared>>
        tpu.wait_dma2 semaphore(%run_scoped3A : memref<!tpu.dma_semaphore, #tpu.memory_space<semaphore_mem>>) src(%dma_wait3A_355 : memref<256xf32, #tpu.memory_space<vmem_shared>>) dst(%arg8 : memref<256xf32, #tpu.memory_space<vmem>>)
        tpu.yield
      }) : () -> ()
      %mul3A_200 = arith.constant 256 : i32
      %mul3A_201 = arith.muli %arg1, %mul3A_200 : i32
      "tpu.region"() ({
        %run_scoped3A = tpu.sem_alloc : memref<!tpu.dma_semaphore, #tpu.memory_space<semaphore_mem>>
        %dma_start3A_352 = tpu.memref_slice %arg14[%mul3A_201] : memref<4096xf32, #tpu.memory_space<vmem_shared>> -> memref<256xf32, #tpu.memory_space<vmem_shared>>
        %dma_start3A_353 = tpu.memref_slice %arg14[%mul3A_201] : memref<4096xf32, #tpu.memory_space<vmem_shared>> -> memref<256xf32, #tpu.memory_space<vmem_shared>>
        tpu.enqueue_dma source(%dma_start3A_353 : memref<256xf32, #tpu.memory_space<vmem_shared>>) target(%arg9 : memref<256xf32, #tpu.memory_space<vmem>>) target_semaphore(%run_scoped3A : memref<!tpu.dma_semaphore, #tpu.memory_space<semaphore_mem>>)
        %dma_wait3A_354 = tpu.memref_slice %arg14[%mul3A_201] : memref<4096xf32, #tpu.memory_space<vmem_shared>> -> memref<256xf32, #tpu.memory_space<vmem_shared>>
        %dma_wait3A_355 = tpu.memref_slice %arg14[%mul3A_201] : memref<4096xf32, #tpu.memory_space<vmem_shared>> -> memref<256xf32, #tpu.memory_space<vmem_shared>>
        tpu.wait_dma2 semaphore(%run_scoped3A : memref<!tpu.dma_semaphore, #tpu.memory_space<semaphore_mem>>) src(%dma_wait3A_355 : memref<256xf32, #tpu.memory_space<vmem_shared>>) dst(%arg9 : memref<256xf32, #tpu.memory_space<vmem>>)
        tpu.yield
      }) : () -> ()
      %broadcast_in_dim3A_202 = arith.constant -1.000000e+30 : f32
      %broadcast_in_dim3A_203 = vector.broadcast %broadcast_in_dim3A_202 : f32 to vector<16xf32>
      %scan3A_204 = arith.constant 0 : i32
      %scan3A_205 = arith.constant 16 : i32
      %scan3A_206 = arith.addi %scan3A_204, %scan3A_205 : i32
      %scan3A_207 = arith.constant 1 : i32
      %scan3A_208 = scf.for %scan3A_352 = %scan3A_204 to %scan3A_206 step %scan3A_207 iter_args(%scan3A_353 = %broadcast_in_dim3A_203) -> (vector<16xf32>)  : i32 {
        %mul3A_354 = arith.constant 16 : i32
        %mul3A_355 = arith.muli %scan3A_352, %mul3A_354 : i32
        %get3A = arith.index_cast %mul3A_355 : i32 to index
        %get3A_356 = tpu.vector_load %arg9[%get3A] {strides = array<i32>} : memref<256xf32, #tpu.memory_space<vmem>>, vector<16xf32>,
        %max3A = arith.constant 1.000000e+00 : f32
        %max3A_357 = vector.broadcast %max3A : f32 to vector<16xf32>
        %max3A_358 = arith.maximumf %get3A_356, %max3A_357 : vector<16xf32>
        %mul3A_359 = arith.constant 16 : i32
        %mul3A_360 = arith.muli %scan3A_352, %mul3A_359 : i32
        %get3A_361 = arith.index_cast %mul3A_360 : i32 to index
        %get3A_362 = tpu.vector_load %arg8[%get3A_361] {strides = array<i32>} : memref<256xf32, #tpu.memory_space<vmem>>, vector<16xf32>,
        %div3A_363 = arith.divf %get3A_362, %max3A_358 : vector<16xf32>
        %mul3A_364 = arith.constant 3.125000e-02 : f32
        %mul3A_365 = vector.broadcast %mul3A_364 : f32 to vector<16xf32>
        %mul3A_366 = arith.mulf %div3A_363, %mul3A_365 : vector<16xf32>
        %mul3A_367 = arith.constant 16 : i32
        %mul3A_368 = arith.muli %scan3A_352, %mul3A_367 : i32
        %swap3A_369 = arith.index_cast %mul3A_368 : i32 to index
        %swap3A_370 = tpu.vector_load %arg8[%swap3A_369] {strides = array<i32>} : memref<256xf32, #tpu.memory_space<vmem>>, vector<16xf32>,
        tpu.vector_store %arg8[%swap3A_369], %mul3A_366 {strides = array<i32>} : memref<256xf32, #tpu.memory_space<vmem>>, vector<16xf32>,
        %mul3A_371 = arith.constant 16 : i32
        %mul3A_372 = arith.muli %scan3A_352, %mul3A_371 : i32
        %swap3A_373 = arith.index_cast %mul3A_372 : i32 to index
        %swap3A_374 = tpu.vector_load %arg9[%swap3A_373] {strides = array<i32>} : memref<256xf32, #tpu.memory_space<vmem>>, vector<16xf32>,
        tpu.vector_store %arg9[%swap3A_373], %max3A_358 {strides = array<i32>} : memref<256xf32, #tpu.memory_space<vmem>>, vector<16xf32>,
        %max3A_375 = arith.maximumf %scan3A_353, %mul3A_366 : vector<16xf32>
        scf.yield %max3A_375 : vector<16xf32>
      }
      %scan3A_209 = arith.constant 16 : i32
      %iota3A = tpu.iota {dimensions = array<i32: 0>} : vector<16xi32>
      %eq3A_210 = arith.constant 0 : i32
      %eq3A_211 = vector.broadcast %eq3A_210 : i32 to vector<16xi32>
      %eq3A_212 = arith.cmpi eq, %iota3A, %eq3A_211 : vector<16xi32>
      %broadcast_in_dim3A_213 = arith.constant -1.000000e+30 : f32
      %broadcast_in_dim3A_214 = vector.broadcast %broadcast_in_dim3A_213 : f32 to vector<16xf32>
      %reduce_max3A = arith.constant true
      %reduce_max3A_215 = vector.broadcast %reduce_max3A : i1 to vector<16xi1>
      %reduce_max3A_216 = tpu.scan <max>, %scan3A_208 masked %reduce_max3A_215 : vector<16xf32>, vector<16xi1> -> vector<16xf32>
      %reduce_max3A_217 = vector.extract %reduce_max3A_216[15] : f32 from vector<16xf32>
      %broadcast_in_dim3A_218 = vector.broadcast %reduce_max3A_217 : f32 to vector<16xf32>
      %select_n3A = arith.select %eq3A_212, %broadcast_in_dim3A_218, %broadcast_in_dim3A_214 : vector<16xi1>, vector<16xf32>
      %swap3A = arith.constant 0 : index
      %swap3A_219 = tpu.vector_load %arg10[%swap3A] {strides = array<i32>} : memref<16xf32, #tpu.memory_space<vmem>>, vector<16xf32>,
      tpu.vector_store %arg10[%swap3A], %select_n3A {strides = array<i32>} : memref<16xf32, #tpu.memory_space<vmem>>, vector<16xf32>,
      %mul3A_220 = arith.constant 16 : i32
      %mul3A_221 = arith.muli %arg1, %mul3A_220 : i32
      "tpu.region"() ({
        %run_scoped3A = tpu.sem_alloc : memref<!tpu.dma_semaphore, #tpu.memory_space<semaphore_mem>>
        %dma_start3A_352 = tpu.memref_slice %arg16[%mul3A_221] : memref<256xf32, #tpu.memory_space<vmem_shared>> -> memref<16xf32, #tpu.memory_space<vmem_shared>>
        %dma_start3A_353 = tpu.memref_slice %arg16[%mul3A_221] : memref<256xf32, #tpu.memory_space<vmem_shared>> -> memref<16xf32, #tpu.memory_space<vmem_shared>>
        tpu.enqueue_dma source(%arg10 : memref<16xf32, #tpu.memory_space<vmem>>) target(%dma_start3A_353 : memref<16xf32, #tpu.memory_space<vmem_shared>>) target_semaphore(%run_scoped3A : memref<!tpu.dma_semaphore, #tpu.memory_space<semaphore_mem>>)
        %dma_wait3A_354 = tpu.memref_slice %arg16[%mul3A_221] : memref<256xf32, #tpu.memory_space<vmem_shared>> -> memref<16xf32, #tpu.memory_space<vmem_shared>>
        %dma_wait3A_355 = tpu.memref_slice %arg16[%mul3A_221] : memref<256xf32, #tpu.memory_space<vmem_shared>> -> memref<16xf32, #tpu.memory_space<vmem_shared>>
        tpu.wait_dma2 semaphore(%run_scoped3A : memref<!tpu.dma_semaphore, #tpu.memory_space<semaphore_mem>>) src(%arg10 : memref<16xf32, #tpu.memory_space<vmem>>) dst(%dma_wait3A_355 : memref<16xf32, #tpu.memory_space<vmem_shared>>)
        tpu.yield
      }) : () -> ()
      %barrier3A_222 = arith.constant 0 : index
      tpu.barrier barrier_id(%barrier3A_222)
      "tpu.region"() ({
        %run_scoped3A = tpu.sem_alloc : memref<!tpu.dma_semaphore, #tpu.memory_space<semaphore_mem>>
        tpu.enqueue_dma source(%arg16 : memref<256xf32, #tpu.memory_space<vmem_shared>>) target(%arg11 : memref<256xf32, #tpu.memory_space<vmem>>) target_semaphore(%run_scoped3A : memref<!tpu.dma_semaphore, #tpu.memory_space<semaphore_mem>>)
        tpu.wait_dma2 semaphore(%run_scoped3A : memref<!tpu.dma_semaphore, #tpu.memory_space<semaphore_mem>>) src(%arg16 : memref<256xf32, #tpu.memory_space<vmem_shared>>) dst(%arg11 : memref<256xf32, #tpu.memory_space<vmem>>)
        tpu.yield
      }) : () -> ()
      %scan3A_223 = arith.constant 0 : i32
      %scan3A_224 = arith.constant 16 : i32
      %scan3A_225 = arith.addi %scan3A_223, %scan3A_224 : i32
      %scan3A_226 = arith.constant 1 : i32
      %scan3A_227 = scf.for %scan3A_352 = %scan3A_223 to %scan3A_225 step %scan3A_226 iter_args(%scan3A_353 = %broadcast_in_dim3A_214) -> (vector<16xf32>)  : i32 {
        %mul3A_354 = arith.constant 16 : i32
        %mul3A_355 = arith.muli %scan3A_352, %mul3A_354 : i32
        %get3A = arith.index_cast %mul3A_355 : i32 to index
        %get3A_356 = tpu.vector_load %arg11[%get3A] {strides = array<i32>} : memref<256xf32, #tpu.memory_space<vmem>>, vector<16xf32>,
        %max3A = arith.maximumf %scan3A_353, %get3A_356 : vector<16xf32>
        scf.yield %max3A : vector<16xf32>
      }
      %scan3A_228 = arith.constant 16 : i32
      %reduce_max3A_229 = arith.constant true
      %reduce_max3A_230 = vector.broadcast %reduce_max3A_229 : i1 to vector<16xi1>
      %reduce_max3A_231 = tpu.scan <max>, %scan3A_227 masked %reduce_max3A_230 : vector<16xf32>, vector<16xi1> -> vector<16xf32>
      %reduce_max3A_232 = vector.extract %reduce_max3A_231[15] : f32 from vector<16xf32>
      %broadcast_in_dim3A_233 = vector.broadcast %reduce_max3A_232 : f32 to vector<16xf32>
      %scan3A_234 = arith.constant 0 : i32
      %scan3A_235 = arith.constant 16 : i32
      %scan3A_236 = arith.addi %scan3A_234, %scan3A_235 : i32
      %scan3A_237 = arith.constant 1 : i32
      %scan3A_238 = scf.for %scan3A_352 = %scan3A_234 to %scan3A_236 step %scan3A_237 iter_args(%scan3A_353 = %broadcast_in_dim3A_2) -> (vector<16xf32>)  : i32 {
        %mul3A_354 = arith.constant 16 : i32
        %mul3A_355 = arith.muli %scan3A_352, %mul3A_354 : i32
        %get3A = arith.index_cast %mul3A_355 : i32 to index
        %get3A_356 = tpu.vector_load %arg8[%get3A] {strides = array<i32>} : memref<256xf32, #tpu.memory_space<vmem>>, vector<16xf32>,
        %sub3A = arith.subf %get3A_356, %broadcast_in_dim3A_233 : vector<16xf32>
        %exp3A = math.exp %sub3A : vector<16xf32>
        %mul3A_357 = arith.constant 16 : i32
        %mul3A_358 = arith.muli %scan3A_352, %mul3A_357 : i32
        %swap3A_359 = arith.index_cast %mul3A_358 : i32 to index
        %swap3A_360 = tpu.vector_load %arg8[%swap3A_359] {strides = array<i32>} : memref<256xf32, #tpu.memory_space<vmem>>, vector<16xf32>,
        tpu.vector_store %arg8[%swap3A_359], %exp3A {strides = array<i32>} : memref<256xf32, #tpu.memory_space<vmem>>, vector<16xf32>,
        %add3A = arith.addf %scan3A_353, %exp3A : vector<16xf32>
        scf.yield %add3A : vector<16xf32>
      }
      %scan3A_239 = arith.constant 16 : i32
      %reduce_sum3A = arith.constant true
      %reduce_sum3A_240 = vector.broadcast %reduce_sum3A : i1 to vector<16xi1>
      %reduce_sum3A_241 = tpu.scan <sum>, %scan3A_238 masked %reduce_sum3A_240 : vector<16xf32>, vector<16xi1> -> vector<16xf32>
      %reduce_sum3A_242 = vector.extract %reduce_sum3A_241[15] : f32 from vector<16xf32>
      %broadcast_in_dim3A_243 = vector.broadcast %reduce_sum3A_242 : f32 to vector<16xf32>
      %select_n3A_244 = arith.select %eq3A_212, %broadcast_in_dim3A_243, %broadcast_in_dim3A_2 : vector<16xi1>, vector<16xf32>
      %swap3A_245 = arith.constant 0 : index
      %swap3A_246 = tpu.vector_load %arg10[%swap3A_245] {strides = array<i32>} : memref<16xf32, #tpu.memory_space<vmem>>, vector<16xf32>,
      tpu.vector_store %arg10[%swap3A_245], %select_n3A_244 {strides = array<i32>} : memref<16xf32, #tpu.memory_space<vmem>>, vector<16xf32>,
      %mul3A_247 = arith.constant 16 : i32
      %mul3A_248 = arith.muli %arg1, %mul3A_247 : i32
      "tpu.region"() ({
        %run_scoped3A = tpu.sem_alloc : memref<!tpu.dma_semaphore, #tpu.memory_space<semaphore_mem>>
        %dma_start3A_352 = tpu.memref_slice %arg17[%mul3A_248] : memref<256xf32, #tpu.memory_space<vmem_shared>> -> memref<16xf32, #tpu.memory_space<vmem_shared>>
        %dma_start3A_353 = tpu.memref_slice %arg17[%mul3A_248] : memref<256xf32, #tpu.memory_space<vmem_shared>> -> memref<16xf32, #tpu.memory_space<vmem_shared>>
        tpu.enqueue_dma source(%arg10 : memref<16xf32, #tpu.memory_space<vmem>>) target(%dma_start3A_353 : memref<16xf32, #tpu.memory_space<vmem_shared>>) target_semaphore(%run_scoped3A : memref<!tpu.dma_semaphore, #tpu.memory_space<semaphore_mem>>)
        %dma_wait3A_354 = tpu.memref_slice %arg17[%mul3A_248] : memref<256xf32, #tpu.memory_space<vmem_shared>> -> memref<16xf32, #tpu.memory_space<vmem_shared>>
        %dma_wait3A_355 = tpu.memref_slice %arg17[%mul3A_248] : memref<256xf32, #tpu.memory_space<vmem_shared>> -> memref<16xf32, #tpu.memory_space<vmem_shared>>
        tpu.wait_dma2 semaphore(%run_scoped3A : memref<!tpu.dma_semaphore, #tpu.memory_space<semaphore_mem>>) src(%arg10 : memref<16xf32, #tpu.memory_space<vmem>>) dst(%dma_wait3A_355 : memref<16xf32, #tpu.memory_space<vmem_shared>>)
        tpu.yield
      }) : () -> ()
      %barrier3A_249 = arith.constant 0 : index
      tpu.barrier barrier_id(%barrier3A_249)
      "tpu.region"() ({
        %run_scoped3A = tpu.sem_alloc : memref<!tpu.dma_semaphore, #tpu.memory_space<semaphore_mem>>
        tpu.enqueue_dma source(%arg17 : memref<256xf32, #tpu.memory_space<vmem_shared>>) target(%arg11 : memref<256xf32, #tpu.memory_space<vmem>>) target_semaphore(%run_scoped3A : memref<!tpu.dma_semaphore, #tpu.memory_space<semaphore_mem>>)
        tpu.wait_dma2 semaphore(%run_scoped3A : memref<!tpu.dma_semaphore, #tpu.memory_space<semaphore_mem>>) src(%arg17 : memref<256xf32, #tpu.memory_space<vmem_shared>>) dst(%arg11 : memref<256xf32, #tpu.memory_space<vmem>>)
        tpu.yield
      }) : () -> ()
      %scan3A_250 = arith.constant 0 : i32
      %scan3A_251 = arith.constant 16 : i32
      %scan3A_252 = arith.addi %scan3A_250, %scan3A_251 : i32
      %scan3A_253 = arith.constant 1 : i32
      %scan3A_254 = scf.for %scan3A_352 = %scan3A_250 to %scan3A_252 step %scan3A_253 iter_args(%scan3A_353 = %broadcast_in_dim3A_2) -> (vector<16xf32>)  : i32 {
        %mul3A_354 = arith.constant 16 : i32
        %mul3A_355 = arith.muli %scan3A_352, %mul3A_354 : i32
        %get3A = arith.index_cast %mul3A_355 : i32 to index
        %get3A_356 = tpu.vector_load %arg11[%get3A] {strides = array<i32>} : memref<256xf32, #tpu.memory_space<vmem>>, vector<16xf32>,
        %add3A = arith.addf %scan3A_353, %get3A_356 : vector<16xf32>
        scf.yield %add3A : vector<16xf32>
      }
      %scan3A_255 = arith.constant 16 : i32
      %reduce_sum3A_256 = arith.constant true
      %reduce_sum3A_257 = vector.broadcast %reduce_sum3A_256 : i1 to vector<16xi1>
      %reduce_sum3A_258 = tpu.scan <sum>, %scan3A_254 masked %reduce_sum3A_257 : vector<16xf32>, vector<16xi1> -> vector<16xf32>
      %reduce_sum3A_259 = vector.extract %reduce_sum3A_258[15] : f32 from vector<16xf32>
      %broadcast_in_dim3A_260 = vector.broadcast %reduce_sum3A_259 : f32 to vector<16xf32>
      %div3A = arith.divf %broadcast_in_dim3A_4, %broadcast_in_dim3A_260 : vector<16xf32>
      %scan3A_261 = arith.constant 0 : i32
      %scan3A_262 = arith.constant 0 : i32
      %scan3A_263 = arith.constant 16 : i32
      %scan3A_264 = arith.addi %scan3A_262, %scan3A_263 : i32
      %scan3A_265 = arith.constant 1 : i32
      scf.for %scan3A_352 = %scan3A_262 to %scan3A_264 step %scan3A_265  : i32 {
        %mul3A_353 = arith.constant 16 : i32
        %mul3A_354 = arith.muli %scan3A_352, %mul3A_353 : i32
        %get3A = arith.index_cast %mul3A_354 : i32 to index
        %get3A_355 = tpu.vector_load %arg8[%get3A] {strides = array<i32>} : memref<256xf32, #tpu.memory_space<vmem>>, vector<16xf32>,
        %mul3A_356 = arith.mulf %get3A_355, %div3A : vector<16xf32>
        %mul3A_357 = arith.constant 16 : i32
        %mul3A_358 = arith.muli %scan3A_352, %mul3A_357 : i32
        %get3A_359 = arith.index_cast %mul3A_358 : i32 to index
        %get3A_360 = tpu.vector_load %arg9[%get3A_359] {strides = array<i32>} : memref<256xf32, #tpu.memory_space<vmem>>, vector<16xf32>,
        %div3A_361 = arith.divf %mul3A_356, %get3A_360 : vector<16xf32>
        %mul3A_362 = arith.constant 16 : i32
        %mul3A_363 = arith.muli %scan3A_352, %mul3A_362 : i32
        %swap3A_364 = arith.index_cast %mul3A_363 : i32 to index
        %swap3A_365 = tpu.vector_load %arg8[%swap3A_364] {strides = array<i32>} : memref<256xf32, #tpu.memory_space<vmem>>, vector<16xf32>,
        tpu.vector_store %arg8[%swap3A_364], %div3A_361 {strides = array<i32>} : memref<256xf32, #tpu.memory_space<vmem>>, vector<16xf32>,
      }
      %scan3A_266 = arith.constant 16 : i32
      %mul3A_267 = arith.constant 256 : i32
      %mul3A_268 = arith.muli %arg1, %mul3A_267 : i32
      "tpu.region"() ({
        %run_scoped3A = tpu.sem_alloc : memref<!tpu.dma_semaphore, #tpu.memory_space<semaphore_mem>>
        %dma_start3A_352 = tpu.memref_slice %arg15[%mul3A_268] : memref<4096xf32, #tpu.memory_space<vmem_shared>> -> memref<256xf32, #tpu.memory_space<vmem_shared>>
        %dma_start3A_353 = tpu.memref_slice %arg15[%mul3A_268] : memref<4096xf32, #tpu.memory_space<vmem_shared>> -> memref<256xf32, #tpu.memory_space<vmem_shared>>
        tpu.enqueue_dma source(%arg8 : memref<256xf32, #tpu.memory_space<vmem>>) target(%dma_start3A_353 : memref<256xf32, #tpu.memory_space<vmem_shared>>) target_semaphore(%run_scoped3A : memref<!tpu.dma_semaphore, #tpu.memory_space<semaphore_mem>>)
        %dma_wait3A_354 = tpu.memref_slice %arg15[%mul3A_268] : memref<4096xf32, #tpu.memory_space<vmem_shared>> -> memref<256xf32, #tpu.memory_space<vmem_shared>>
        %dma_wait3A_355 = tpu.memref_slice %arg15[%mul3A_268] : memref<4096xf32, #tpu.memory_space<vmem_shared>> -> memref<256xf32, #tpu.memory_space<vmem_shared>>
        tpu.wait_dma2 semaphore(%run_scoped3A : memref<!tpu.dma_semaphore, #tpu.memory_space<semaphore_mem>>) src(%arg8 : memref<256xf32, #tpu.memory_space<vmem>>) dst(%dma_wait3A_355 : memref<256xf32, #tpu.memory_space<vmem_shared>>)
        tpu.yield
      }) : () -> ()
      %barrier3A_269 = arith.constant 0 : index
      tpu.barrier barrier_id(%barrier3A_269)
      %dma_start3A_270 = arith.constant 0 : i32
      %dma_start3A_271 = arith.constant 0 : i32
      %dma_start3A_272 = arith.constant 0 : i32
      %dma_start3A_273 = tpu.memref_slice %arg12[%dma_start3A_271, %dma_start3A_272] : memref<4x128xf32, #tpu.memory_space<vmem>> -> memref<1x128xf32, #tpu.memory_space<vmem>>
      %dma_start3A_274 = tpu.memref_squeeze %dma_start3A_273 : memref<1x128xf32, #tpu.memory_space<vmem>> -> memref<128xf32, #tpu.memory_space<vmem>>
      %dma_start3A_275 = arith.constant 0 : i32
      %dma_start3A_276 = tpu.memref_slice %arg6[%dma_start3A_270, %dma_start3A_275] : memref<4x128xi32, #tpu.memory_space<vmem>> -> memref<1x128xi32, #tpu.memory_space<vmem>>
      %dma_start3A_277 = tpu.memref_squeeze %dma_start3A_276 : memref<1x128xi32, #tpu.memory_space<vmem>> -> memref<128xi32, #tpu.memory_space<vmem>>
      %dma_start3A_278 = arith.constant 0 : i32
      %dma_start3A_279 = tpu.memref_slice %arg15[%dma_start3A_278] : memref<4096xf32, #tpu.memory_space<vmem_shared>> -> memref<4096xf32, #tpu.memory_space<vmem_shared>>
      tpu.enqueue_indirect_dma source(%dma_start3A_279 : memref<4096xf32, #tpu.memory_space<vmem_shared>>) target(%dma_start3A_274 : memref<128xf32, #tpu.memory_space<vmem>>) offsets(%dma_start3A_277 : memref<128xi32, #tpu.memory_space<vmem>>) semaphore(%arg20 : memref<!tpu.dma_semaphore, #tpu.memory_space<semaphore_mem>>)
      %dma_start3A_280 = arith.constant 1 : i32
      %dma_start3A_281 = arith.constant 1 : i32
      %dma_start3A_282 = arith.constant 0 : i32
      %dma_start3A_283 = tpu.memref_slice %arg12[%dma_start3A_281, %dma_start3A_282] : memref<4x128xf32, #tpu.memory_space<vmem>> -> memref<1x128xf32, #tpu.memory_space<vmem>>
      %dma_start3A_284 = tpu.memref_squeeze %dma_start3A_283 : memref<1x128xf32, #tpu.memory_space<vmem>> -> memref<128xf32, #tpu.memory_space<vmem>>
      %dma_start3A_285 = arith.constant 0 : i32
      %dma_start3A_286 = tpu.memref_slice %arg6[%dma_start3A_280, %dma_start3A_285] : memref<4x128xi32, #tpu.memory_space<vmem>> -> memref<1x128xi32, #tpu.memory_space<vmem>>
      %dma_start3A_287 = tpu.memref_squeeze %dma_start3A_286 : memref<1x128xi32, #tpu.memory_space<vmem>> -> memref<128xi32, #tpu.memory_space<vmem>>
      %dma_start3A_288 = arith.constant 0 : i32
      %dma_start3A_289 = tpu.memref_slice %arg15[%dma_start3A_288] : memref<4096xf32, #tpu.memory_space<vmem_shared>> -> memref<4096xf32, #tpu.memory_space<vmem_shared>>
      tpu.enqueue_indirect_dma source(%dma_start3A_289 : memref<4096xf32, #tpu.memory_space<vmem_shared>>) target(%dma_start3A_284 : memref<128xf32, #tpu.memory_space<vmem>>) offsets(%dma_start3A_287 : memref<128xi32, #tpu.memory_space<vmem>>) semaphore(%arg20 : memref<!tpu.dma_semaphore, #tpu.memory_space<semaphore_mem>>)
      %dma_start3A_290 = arith.constant 2 : i32
      %dma_start3A_291 = arith.constant 2 : i32
      %dma_start3A_292 = arith.constant 0 : i32
      %dma_start3A_293 = tpu.memref_slice %arg12[%dma_start3A_291, %dma_start3A_292] : memref<4x128xf32, #tpu.memory_space<vmem>> -> memref<1x128xf32, #tpu.memory_space<vmem>>
      %dma_start3A_294 = tpu.memref_squeeze %dma_start3A_293 : memref<1x128xf32, #tpu.memory_space<vmem>> -> memref<128xf32, #tpu.memory_space<vmem>>
      %dma_start3A_295 = arith.constant 0 : i32
      %dma_start3A_296 = tpu.memref_slice %arg6[%dma_start3A_290, %dma_start3A_295] : memref<4x128xi32, #tpu.memory_space<vmem>> -> memref<1x128xi32, #tpu.memory_space<vmem>>
      %dma_start3A_297 = tpu.memref_squeeze %dma_start3A_296 : memref<1x128xi32, #tpu.memory_space<vmem>> -> memref<128xi32, #tpu.memory_space<vmem>>
      %dma_start3A_298 = arith.constant 0 : i32
      %dma_start3A_299 = tpu.memref_slice %arg15[%dma_start3A_298] : memref<4096xf32, #tpu.memory_space<vmem_shared>> -> memref<4096xf32, #tpu.memory_space<vmem_shared>>
      tpu.enqueue_indirect_dma source(%dma_start3A_299 : memref<4096xf32, #tpu.memory_space<vmem_shared>>) target(%dma_start3A_294 : memref<128xf32, #tpu.memory_space<vmem>>) offsets(%dma_start3A_297 : memref<128xi32, #tpu.memory_space<vmem>>) semaphore(%arg20 : memref<!tpu.dma_semaphore, #tpu.memory_space<semaphore_mem>>)
      %dma_start3A_300 = arith.constant 3 : i32
      %dma_start3A_301 = arith.constant 3 : i32
      %dma_start3A_302 = arith.constant 0 : i32
      %dma_start3A_303 = tpu.memref_slice %arg12[%dma_start3A_301, %dma_start3A_302] : memref<4x128xf32, #tpu.memory_space<vmem>> -> memref<1x128xf32, #tpu.memory_space<vmem>>
      %dma_start3A_304 = tpu.memref_squeeze %dma_start3A_303 : memref<1x128xf32, #tpu.memory_space<vmem>> -> memref<128xf32, #tpu.memory_space<vmem>>
      %dma_start3A_305 = arith.constant 0 : i32
      %dma_start3A_306 = tpu.memref_slice %arg6[%dma_start3A_300, %dma_start3A_305] : memref<4x128xi32, #tpu.memory_space<vmem>> -> memref<1x128xi32, #tpu.memory_space<vmem>>
      %dma_start3A_307 = tpu.memref_squeeze %dma_start3A_306 : memref<1x128xi32, #tpu.memory_space<vmem>> -> memref<128xi32, #tpu.memory_space<vmem>>
      %dma_start3A_308 = arith.constant 0 : i32
      %dma_start3A_309 = tpu.memref_slice %arg15[%dma_start3A_308] : memref<4096xf32, #tpu.memory_space<vmem_shared>> -> memref<4096xf32, #tpu.memory_space<vmem_shared>>
      tpu.enqueue_indirect_dma source(%dma_start3A_309 : memref<4096xf32, #tpu.memory_space<vmem_shared>>) target(%dma_start3A_304 : memref<128xf32, #tpu.memory_space<vmem>>) offsets(%dma_start3A_307 : memref<128xi32, #tpu.memory_space<vmem>>) semaphore(%arg20 : memref<!tpu.dma_semaphore, #tpu.memory_space<semaphore_mem>>)
      %dma_wait3A_310 = arith.constant 0 : i32
      %dma_wait3A_311 = arith.constant 0 : i32
      %dma_wait3A_312 = arith.constant 0 : i32
      %dma_wait3A_313 = tpu.memref_slice %arg12[%dma_wait3A_311, %dma_wait3A_312] : memref<4x128xf32, #tpu.memory_space<vmem>> -> memref<1x128xf32, #tpu.memory_space<vmem>>
      %dma_wait3A_314 = tpu.memref_squeeze %dma_wait3A_313 : memref<1x128xf32, #tpu.memory_space<vmem>> -> memref<128xf32, #tpu.memory_space<vmem>>
      %dma_wait3A_315 = arith.constant 0 : i32
      %dma_wait3A_316 = tpu.memref_slice %arg6[%dma_wait3A_310, %dma_wait3A_315] : memref<4x128xi32, #tpu.memory_space<vmem>> -> memref<1x128xi32, #tpu.memory_space<vmem>>
      %dma_wait3A_317 = tpu.memref_squeeze %dma_wait3A_316 : memref<1x128xi32, #tpu.memory_space<vmem>> -> memref<128xi32, #tpu.memory_space<vmem>>
      %dma_wait3A_318 = arith.constant 0 : i32
      %dma_wait3A_319 = tpu.memref_slice %arg15[%dma_wait3A_318] : memref<4096xf32, #tpu.memory_space<vmem_shared>> -> memref<4096xf32, #tpu.memory_space<vmem_shared>>
      tpu.wait_indirect_dma semaphore(%arg20 : memref<!tpu.dma_semaphore, #tpu.memory_space<semaphore_mem>>) src(%dma_wait3A_319 : memref<4096xf32, #tpu.memory_space<vmem_shared>>) dst(%dma_wait3A_314 : memref<128xf32, #tpu.memory_space<vmem>>)
      %dma_wait3A_320 = arith.constant 1 : i32
      %dma_wait3A_321 = arith.constant 1 : i32
      %dma_wait3A_322 = arith.constant 0 : i32
      %dma_wait3A_323 = tpu.memref_slice %arg12[%dma_wait3A_321, %dma_wait3A_322] : memref<4x128xf32, #tpu.memory_space<vmem>> -> memref<1x128xf32, #tpu.memory_space<vmem>>
      %dma_wait3A_324 = tpu.memref_squeeze %dma_wait3A_323 : memref<1x128xf32, #tpu.memory_space<vmem>> -> memref<128xf32, #tpu.memory_space<vmem>>
      %dma_wait3A_325 = arith.constant 0 : i32
      %dma_wait3A_326 = tpu.memref_slice %arg6[%dma_wait3A_320, %dma_wait3A_325] : memref<4x128xi32, #tpu.memory_space<vmem>> -> memref<1x128xi32, #tpu.memory_space<vmem>>
      %dma_wait3A_327 = tpu.memref_squeeze %dma_wait3A_326 : memref<1x128xi32, #tpu.memory_space<vmem>> -> memref<128xi32, #tpu.memory_space<vmem>>
      %dma_wait3A_328 = arith.constant 0 : i32
      %dma_wait3A_329 = tpu.memref_slice %arg15[%dma_wait3A_328] : memref<4096xf32, #tpu.memory_space<vmem_shared>> -> memref<4096xf32, #tpu.memory_space<vmem_shared>>
      tpu.wait_indirect_dma semaphore(%arg20 : memref<!tpu.dma_semaphore, #tpu.memory_space<semaphore_mem>>) src(%dma_wait3A_329 : memref<4096xf32, #tpu.memory_space<vmem_shared>>) dst(%dma_wait3A_324 : memref<128xf32, #tpu.memory_space<vmem>>)
      %dma_wait3A_330 = arith.constant 2 : i32
      %dma_wait3A_331 = arith.constant 2 : i32
      %dma_wait3A_332 = arith.constant 0 : i32
      %dma_wait3A_333 = tpu.memref_slice %arg12[%dma_wait3A_331, %dma_wait3A_332] : memref<4x128xf32, #tpu.memory_space<vmem>> -> memref<1x128xf32, #tpu.memory_space<vmem>>
      %dma_wait3A_334 = tpu.memref_squeeze %dma_wait3A_333 : memref<1x128xf32, #tpu.memory_space<vmem>> -> memref<128xf32, #tpu.memory_space<vmem>>
      %dma_wait3A_335 = arith.constant 0 : i32
      %dma_wait3A_336 = tpu.memref_slice %arg6[%dma_wait3A_330, %dma_wait3A_335] : memref<4x128xi32, #tpu.memory_space<vmem>> -> memref<1x128xi32, #tpu.memory_space<vmem>>
      %dma_wait3A_337 = tpu.memref_squeeze %dma_wait3A_336 : memref<1x128xi32, #tpu.memory_space<vmem>> -> memref<128xi32, #tpu.memory_space<vmem>>
      %dma_wait3A_338 = arith.constant 0 : i32
      %dma_wait3A_339 = tpu.memref_slice %arg15[%dma_wait3A_338] : memref<4096xf32, #tpu.memory_space<vmem_shared>> -> memref<4096xf32, #tpu.memory_space<vmem_shared>>
      tpu.wait_indirect_dma semaphore(%arg20 : memref<!tpu.dma_semaphore, #tpu.memory_space<semaphore_mem>>) src(%dma_wait3A_339 : memref<4096xf32, #tpu.memory_space<vmem_shared>>) dst(%dma_wait3A_334 : memref<128xf32, #tpu.memory_space<vmem>>)
      %dma_wait3A_340 = arith.constant 3 : i32
      %dma_wait3A_341 = arith.constant 3 : i32
      %dma_wait3A_342 = arith.constant 0 : i32
      %dma_wait3A_343 = tpu.memref_slice %arg12[%dma_wait3A_341, %dma_wait3A_342] : memref<4x128xf32, #tpu.memory_space<vmem>> -> memref<1x128xf32, #tpu.memory_space<vmem>>
      %dma_wait3A_344 = tpu.memref_squeeze %dma_wait3A_343 : memref<1x128xf32, #tpu.memory_space<vmem>> -> memref<128xf32, #tpu.memory_space<vmem>>
      %dma_wait3A_345 = arith.constant 0 : i32
      %dma_wait3A_346 = tpu.memref_slice %arg6[%dma_wait3A_340, %dma_wait3A_345] : memref<4x128xi32, #tpu.memory_space<vmem>> -> memref<1x128xi32, #tpu.memory_space<vmem>>
      %dma_wait3A_347 = tpu.memref_squeeze %dma_wait3A_346 : memref<1x128xi32, #tpu.memory_space<vmem>> -> memref<128xi32, #tpu.memory_space<vmem>>
      %dma_wait3A_348 = arith.constant 0 : i32
      %dma_wait3A_349 = tpu.memref_slice %arg15[%dma_wait3A_348] : memref<4096xf32, #tpu.memory_space<vmem_shared>> -> memref<4096xf32, #tpu.memory_space<vmem_shared>>
      tpu.wait_indirect_dma semaphore(%arg20 : memref<!tpu.dma_semaphore, #tpu.memory_space<semaphore_mem>>) src(%dma_wait3A_349 : memref<4096xf32, #tpu.memory_space<vmem_shared>>) dst(%dma_wait3A_344 : memref<128xf32, #tpu.memory_space<vmem>>)
      %mul3A_350 = arith.constant 4 : i32
      %mul3A_351 = arith.muli %arg1, %mul3A_350 : i32
      "tpu.region"() ({
        %run_scoped3A = tpu.sem_alloc : memref<!tpu.dma_semaphore, #tpu.memory_space<semaphore_mem>>
        %dma_start3A_352 = arith.constant 0 : i32
        %dma_start3A_353 = tpu.memref_slice %arg4[%mul3A_351, %dma_start3A_352] : memref<64x128xf32, #tpu.memory_space<hbm>> -> memref<4x128xf32, #tpu.memory_space<hbm>>
        %dma_start3A_354 = arith.constant 0 : i32
        %dma_start3A_355 = tpu.memref_slice %arg4[%mul3A_351, %dma_start3A_354] : memref<64x128xf32, #tpu.memory_space<hbm>> -> memref<4x128xf32, #tpu.memory_space<hbm>>
        tpu.enqueue_dma source(%arg12 : memref<4x128xf32, #tpu.memory_space<vmem>>) target(%dma_start3A_355 : memref<4x128xf32, #tpu.memory_space<hbm>>) target_semaphore(%run_scoped3A : memref<!tpu.dma_semaphore, #tpu.memory_space<semaphore_mem>>)
        %dma_wait3A_356 = arith.constant 0 : i32
        %dma_wait3A_357 = tpu.memref_slice %arg4[%mul3A_351, %dma_wait3A_356] : memref<64x128xf32, #tpu.memory_space<hbm>> -> memref<4x128xf32, #tpu.memory_space<hbm>>
        %dma_wait3A_358 = arith.constant 0 : i32
        %dma_wait3A_359 = tpu.memref_slice %arg4[%mul3A_351, %dma_wait3A_358] : memref<64x128xf32, #tpu.memory_space<hbm>> -> memref<4x128xf32, #tpu.memory_space<hbm>>
        tpu.wait_dma2 semaphore(%run_scoped3A : memref<!tpu.dma_semaphore, #tpu.memory_space<semaphore_mem>>) src(%arg12 : memref<4x128xf32, #tpu.memory_space<vmem>>) dst(%dma_wait3A_359 : memref<4x128xf32, #tpu.memory_space<hbm>>)
        tpu.yield
      }) : () -> ()
    } else {
    }
    return
  }
}

module attributes {stable_mosaic.version = 14 : i64} {
  func.func @_out_body(%arg0: i32, %arg1: memref<2048xf32, #tpu.memory_space<vmem>>, %arg2: memref<2048x1024xf32, #tpu.memory_space<vmem>>, %arg3: memref<1024x1024xf32, #tpu.memory_space<vmem>>, %arg4: memref<1024xf32, #tpu.memory_space<vmem>>, %arg5: memref<1x1024xf32, #tpu.memory_space<vmem>>) attributes {dimension_semantics = [#tpu.dimension_semantics<arbitrary>], iteration_bounds = array<i64: 4>, scalar_prefetch = 0 : i64, scratch_operands = 1 : i64, tpu.core_type = #tpu.core_type<tc>, window_params = [{transform_indices = @transform_0, window_bounds = array<i64: 2048>}, {transform_indices = @transform_1, window_bounds = array<i64: 2048, 1024>}, {pipeline_mode = #tpu.pipeline_mode<synchronous>, transform_indices = @transform_2, window_bounds = array<i64: 1024, 1024>}, {pipeline_mode = #tpu.pipeline_mode<synchronous>, transform_indices = @transform_3, window_bounds = array<i64: 1024>}]} {
    %eq3A = arith.constant 0 : i32
    %eq3A_0 = arith.cmpi eq, %arg0, %eq3A : i32
    %convert_element_type3A = arith.extui %eq3A_0 : i1 to i32
    %cond3A = arith.constant 0 : i32
    %cond3A_1 = arith.cmpi ne, %convert_element_type3A, %cond3A : i32
    scf.if %cond3A_1 {
      %broadcast_in_dim3A = arith.constant 0.000000e+00 : f32
      %broadcast_in_dim3A_17 = vector.broadcast %broadcast_in_dim3A : f32 to vector<1x1024xf32>
      %swap3A_18 = arith.constant 0 : index
      %swap3A_19 = arith.constant 0 : index
      %swap3A_20 = vector.load %arg5[%swap3A_18, %swap3A_19] : memref<1x1024xf32, #tpu.memory_space<vmem>>, vector<1x1024xf32>
      tpu.vector_store %arg5[%swap3A_18, %swap3A_19], %broadcast_in_dim3A_17 {strides = array<i32>} : memref<1x1024xf32, #tpu.memory_space<vmem>>, vector<1x1024xf32>,
    } else {
    }
    %get3A = arith.constant 0 : index
    %get3A_2 = vector.load %arg1[%get3A] : memref<2048xf32, #tpu.memory_space<vmem>>, vector<2048xf32>
    %reshape3A = vector.shape_cast %get3A_2 : vector<2048xf32> to vector<1x2048xf32>
    %get3A_3 = arith.constant 0 : index
    %get3A_4 = arith.constant 0 : index
    %get3A_5 = vector.load %arg5[%get3A_3, %get3A_4] : memref<1x1024xf32, #tpu.memory_space<vmem>>, vector<1x1024xf32>
    %get3A_6 = arith.constant 0 : index
    %get3A_7 = arith.constant 0 : index
    %get3A_8 = vector.load %arg2[%get3A_6, %get3A_7] : memref<2048x1024xf32, #tpu.memory_space<vmem>>, vector<2048x1024xf32>
    %dot_general3A = arith.constant dense<0.000000e+00> : vector<1x1024xf32>
    %dot_general3A_9 = tpu.matmul %reshape3A, %get3A_8, %dot_general3A {dimension_numbers = #tpu.dot_dimension_numbers<[1], [0], [0], [1], [0, 0, 1, 1], [], []>, transpose_lhs_hint = false} : vector<1x2048xf32>, vector<2048x1024xf32>, vector<1x1024xf32> -> vector<1x1024xf32>
    %add3A = arith.addf %get3A_5, %dot_general3A_9 : vector<1x1024xf32>
    %swap3A = arith.constant 0 : index
    %swap3A_10 = arith.constant 0 : index
    %swap3A_11 = vector.load %arg5[%swap3A, %swap3A_10] : memref<1x1024xf32, #tpu.memory_space<vmem>>, vector<1x1024xf32>
    tpu.vector_store %arg5[%swap3A, %swap3A_10], %add3A {strides = array<i32>} : memref<1x1024xf32, #tpu.memory_space<vmem>>, vector<1x1024xf32>,
    %eq3A_12 = arith.constant 3 : i32
    %eq3A_13 = arith.cmpi eq, %arg0, %eq3A_12 : i32
    %convert_element_type3A_14 = arith.extui %eq3A_13 : i1 to i32
    %cond3A_15 = arith.constant 0 : i32
    %cond3A_16 = arith.cmpi ne, %convert_element_type3A_14, %cond3A_15 : i32
    scf.if %cond3A_16 {
      %get3A_17 = arith.constant 0 : index
      %get3A_18 = arith.constant 0 : index
      %get3A_19 = vector.load %arg5[%get3A_17, %get3A_18] : memref<1x1024xf32, #tpu.memory_space<vmem>>, vector<1x1024xf32>
      %get3A_20 = arith.constant 0 : index
      %get3A_21 = arith.constant 0 : index
      %get3A_22 = vector.load %arg3[%get3A_20, %get3A_21] : memref<1024x1024xf32, #tpu.memory_space<vmem>>, vector<1024x1024xf32>
      %dot_general3A_23 = arith.constant dense<0.000000e+00> : vector<1x1024xf32>
      %dot_general3A_24 = tpu.matmul %get3A_19, %get3A_22, %dot_general3A_23 {dimension_numbers = #tpu.dot_dimension_numbers<[1], [0], [0], [1], [0, 0, 1, 1], [], []>, transpose_lhs_hint = false} : vector<1x1024xf32>, vector<1024x1024xf32>, vector<1x1024xf32> -> vector<1x1024xf32>
      %reshape3A_25 = vector.shape_cast %dot_general3A_24 : vector<1x1024xf32> to vector<1024xf32>
      %swap3A_26 = arith.constant 0 : index
      %swap3A_27 = vector.load %arg4[%swap3A_26] : memref<1024xf32, #tpu.memory_space<vmem>>, vector<1024xf32>
      tpu.vector_store %arg4[%swap3A_26], %reshape3A_25 {strides = array<i32>} : memref<1024xf32, #tpu.memory_space<vmem>>, vector<1024xf32>,
    } else {
    }
    return
  }
  func.func @transform_0(%arg0: i32) -> i32 {
    %c0_i32 = arith.constant 0 : i32
    return %arg0 : i32
  }
  func.func @transform_1(%arg0: i32) -> (i32, i32) {
    %c0_i32 = arith.constant 0 : i32
    %c0_i32_0 = arith.constant 0 : i32
    return %arg0, %c0_i32 : i32, i32
  }
  func.func @transform_2(%arg0: i32) -> (i32, i32) {
    %c0_i32 = arith.constant 0 : i32
    %c0_i32_0 = arith.constant 0 : i32
    %c0_i32_1 = arith.constant 0 : i32
    return %c0_i32, %c0_i32_0 : i32, i32
  }
  func.func @transform_3(%arg0: i32) -> i32 {
    %c0_i32 = arith.constant 0 : i32
    %c0_i32_0 = arith.constant 0 : i32
    return %c0_i32 : i32
  }
}

module attributes {stable_mosaic.version = 14 : i64} {
  func.func @_proj_body(%arg0: i32, %arg1: memref<1024xf32, #tpu.memory_space<vmem>>, %arg2: memref<1024x1024xf32, #tpu.memory_space<vmem>>, %arg3: memref<2048x1024xf32, #tpu.memory_space<vmem>>, %arg4: memref<2048xf32, #tpu.memory_space<vmem>>, %arg5: memref<1x1024xf32, #tpu.memory_space<vmem>>) attributes {dimension_semantics = [#tpu.dimension_semantics<arbitrary>], iteration_bounds = array<i64: 4>, scalar_prefetch = 0 : i64, scratch_operands = 1 : i64, tpu.core_type = #tpu.core_type<tc>, window_params = [{pipeline_mode = #tpu.pipeline_mode<synchronous>, transform_indices = @transform_0, window_bounds = array<i64: 1024>}, {pipeline_mode = #tpu.pipeline_mode<synchronous>, transform_indices = @transform_1, window_bounds = array<i64: 1024, 1024>}, {transform_indices = @transform_2, window_bounds = array<i64: 2048, 1024>}, {transform_indices = @transform_3, window_bounds = array<i64: 2048>}]} {
    %eq3A = arith.constant 0 : i32
    %eq3A_0 = arith.cmpi eq, %arg0, %eq3A : i32
    %convert_element_type3A = arith.extui %eq3A_0 : i1 to i32
    %cond3A = arith.constant 0 : i32
    %cond3A_1 = arith.cmpi ne, %convert_element_type3A, %cond3A : i32
    scf.if %cond3A_1 {
      %get3A_9 = arith.constant 0 : index
      %get3A_10 = vector.load %arg1[%get3A_9] : memref<1024xf32, #tpu.memory_space<vmem>>, vector<1024xf32>
      %reshape3A_11 = vector.shape_cast %get3A_10 : vector<1024xf32> to vector<1x1024xf32>
      %get3A_12 = arith.constant 0 : index
      %get3A_13 = arith.constant 0 : index
      %get3A_14 = vector.load %arg2[%get3A_12, %get3A_13] : memref<1024x1024xf32, #tpu.memory_space<vmem>>, vector<1024x1024xf32>
      %dot_general3A_15 = arith.constant dense<0.000000e+00> : vector<1x1024xf32>
      %dot_general3A_16 = tpu.matmul %reshape3A_11, %get3A_14, %dot_general3A_15 {dimension_numbers = #tpu.dot_dimension_numbers<[1], [1], [0], [0], [0, 0, 1, 0], [], []>, transpose_lhs_hint = false} : vector<1x1024xf32>, vector<1024x1024xf32>, vector<1x1024xf32> -> vector<1x1024xf32>
      %swap3A_17 = arith.constant 0 : index
      %swap3A_18 = arith.constant 0 : index
      %swap3A_19 = vector.load %arg5[%swap3A_17, %swap3A_18] : memref<1x1024xf32, #tpu.memory_space<vmem>>, vector<1x1024xf32>
      tpu.vector_store %arg5[%swap3A_17, %swap3A_18], %dot_general3A_16 {strides = array<i32>} : memref<1x1024xf32, #tpu.memory_space<vmem>>, vector<1x1024xf32>,
    } else {
    }
    %get3A = arith.constant 0 : index
    %get3A_2 = arith.constant 0 : index
    %get3A_3 = vector.load %arg5[%get3A, %get3A_2] : memref<1x1024xf32, #tpu.memory_space<vmem>>, vector<1x1024xf32>
    %get3A_4 = arith.constant 0 : index
    %get3A_5 = arith.constant 0 : index
    %get3A_6 = vector.load %arg3[%get3A_4, %get3A_5] : memref<2048x1024xf32, #tpu.memory_space<vmem>>, vector<2048x1024xf32>
    %dot_general3A = arith.constant dense<0.000000e+00> : vector<1x2048xf32>
    %dot_general3A_7 = tpu.matmul %get3A_3, %get3A_6, %dot_general3A {dimension_numbers = #tpu.dot_dimension_numbers<[1], [1], [0], [0], [0, 0, 1, 0], [], []>, transpose_lhs_hint = false} : vector<1x1024xf32>, vector<2048x1024xf32>, vector<1x2048xf32> -> vector<1x2048xf32>
    %reshape3A = vector.shape_cast %dot_general3A_7 : vector<1x2048xf32> to vector<2048xf32>
    %swap3A = arith.constant 0 : index
    %swap3A_8 = vector.load %arg4[%swap3A] : memref<2048xf32, #tpu.memory_space<vmem>>, vector<2048xf32>
    tpu.vector_store %arg4[%swap3A], %reshape3A {strides = array<i32>} : memref<2048xf32, #tpu.memory_space<vmem>>, vector<2048xf32>,
    return
  }
  func.func @transform_0(%arg0: i32) -> i32 {
    %c0_i32 = arith.constant 0 : i32
    %c0_i32_0 = arith.constant 0 : i32
    return %c0_i32 : i32
  }
  func.func @transform_1(%arg0: i32) -> (i32, i32) {
    %c0_i32 = arith.constant 0 : i32
    %c0_i32_0 = arith.constant 0 : i32
    %c0_i32_1 = arith.constant 0 : i32
    return %c0_i32, %c0_i32_0 : i32, i32
  }
  func.func @transform_2(%arg0: i32) -> (i32, i32) {
    %c0_i32 = arith.constant 0 : i32
    %c0_i32_0 = arith.constant 0 : i32
    return %arg0, %c0_i32 : i32, i32
  }
  func.func @transform_3(%arg0: i32) -> i32 {
    %c0_i32 = arith.constant 0 : i32
    return %arg0 : i32
  }
}

</mosaic_0001>

<sc_bundles>
// kernel: kernel.5.cloned.1.call-start
scs
__scs_entry_jumppad:
0x0: {  	(pc) =	sbr.rel $0x88, $3  }
0x1: {  	(tag) =	ssettag $0x0;
	lr =	simm.s32 $0x1  }
0x2: {  	[smem:$0x3F9D] =	sst lr;
	_ =	strace $0xD0000000  }
0x3: {  	_ = 	snop  }
0x4: {  	_ = 	snop  }
0x5: {  	_ = 	snop  }
0x6: {  	_ = 	snop  }
0x7: {  	_ = 	snop  }
__scs_overlays_trampoline_lowered:
0x8: {  	[smem:$0x3FAC] =	sst s0  }
0x9: {  	[smem:$0x3FAD] =	sst s1  }
0xa: {  	[smem:$0x3FAE] =	sst s2  }
0xb: {  	[smem:$0x3FAF] =	sst s3  }
0xc: {  	[smem:$0x3FB0] =	sst s4  }
0xd: {  	[smem:$0x3FB1] =	sst s5  }
0xe: {  	[smem:$0x3FB2] =	sst s6  }
0xf: {  	[smem:$0x3FB3] =	sst s7  }
0x10: {  	[smem:$0x3FB4] =	sst s8  }
0x11: {  	[smem:$0x3FB5] =	sst s9;
	s0 =	simm.s32 @!p0 $0x0  }
0x12: {  	s1 =	sld [smem:$0x3F9B];
	s0 =	simm.s32 @p0 $0x1  }
0x13: {  	[smem:$0x3FB6] =	sst s0;
	s0 =	simm.s32 @!p1 $0x0  }
0x14: {  	s2 =	sld [smem:$0x3F9A];
	s0 =	simm.s32 @p1 $0x1  }
0x15: {  	[smem:$0x3FB7] =	sst s0;
	s0 =	simm.s32 @!p2 $0x0  }
0x16: {  	s3 =	sld [smem:$0x3FDB];
	s0 =	simm.s32 @p2 $0x1  }
0x17: {  	s4 =	simm.s32 $0x1BF5;
	[smem:$0x3FB9] =	sst s0  }
0x18: {  	s0 =	sld [smem:$0x3F9C];
	_ =	swait.ge [sflag:s4], $0x0  }
0x19: {  	s7 =	sld [smem:$0x3F9D]  }
0x1a: {  	s8 =	sadd.s32 $0xFFFFE003, lr  }
0x1b: {  	s9 =	sadd.s32 $0xFFFFFEF7, lr;
	s5 =	simm.s32 $0xFFFFFFFF;
	p2 =	slt.u32 s8, $0xFFFFF086  }
0x1c: {  	p1 =	slt.u32 s9, $0xF7A;
	s5 =	simm.s32 @!p2 $0x0  }
0x1d: {  	s5 =	simm.s32 @p1 $0x1;
	p0 =	seq.s32 s7, s2  }
0x1e: {  	s7 =	smul.u32 @!p0 $0xF7A, s2;
	p2 =	seq.s32 @!p0 s5, $0x0  }
0x1f: {  	s9 =	smul.u32 $0xF7A, s1;
	s8 =	simm.s32 @!p0 $0x1BF5;
	p2 =	por !p2, p0  }
0x20: {  	[sflag:s8] =	ssyncset.s32 @!p0 $0xFFFFF086;
	s6 =	sadd.s32 @!p0 s3, s7;
	s7 =	simm.s32 @!p0 $0x108  }
0x21: {  	s3 =	sadd.s32 s3, s9;
	s6 =	sadd.s32 @!p0 $0x88, s6;
	s7 =	simm.s32 @p2 $0x1082  }
0x22: {  	[simem:s7], [sflag:s8] =	dma.local @!p0 [hbm:s6], $0xF7A  }
0x23: {  	s9 =	sor.u32 $0xD0000000, s2;
	s6 =	simm.s32 $0x108;
	_ =	swait.ge @!p0 [sflag:s8], $0x0  }
0x24: {  	s3 =	sadd.s32 $0x88, s3;
	s6 =	simm.s32 @!p1 $0x1082;
	[sflag:s4] =	ssyncset.s32 $0xFFFFF086  }
0x25: {  	[simem:s6], [sflag:s4] =	dma.local [hbm:s3], $0xF7A  }
0x26: {  	[smem:$0x3F9D] =	sst s1;
	(tag) =	ssettag s2;
	_ =	strace s9  }
0x27: {  	s1 =	sld [smem:$0x3FAD]  }
0x28: {  	s2 =	sld [smem:$0x3FAE]  }
0x29: {  	s4 =	sld [smem:$0x3FB0]  }
0x2a: {  	p0 =	seq.s32 s5, $0x0;
	s5 =	sld [smem:$0x3FB1]  }
0x2b: {  	s6 =	sld [smem:$0x3FB2]  }
0x2c: {  	s7 =	sld [smem:$0x3FB3]  }
0x2d: {  	s3 =	simm.s32 $0x108;
	s8 =	sld [smem:$0x3FB4]  }
0x2e: {  	s3 =	simm.s32 @!p0 $0x1082;
	s9 =	sld [smem:$0x3FB5]  }
0x2f: {  	lr =	sadd.s32 s0, s3;
	s0 =	sld [smem:$0x3FAC]  }
0x30: {  	s3 =	sld [smem:$0x3FAF]  }
0x31: {  	[smem:$0x3FB8] =	sst s10  }
0x32: {  	s10 =	sld [smem:$0x3FB6];
	_ =	sdelay $0x3  }
0x33: {  	p0 =	seq.s32 s10, $0x1;
	s10 =	sld [smem:$0x3FB8];
	_ =	sdelay $0x3  }
0x34: {  	[smem:$0x3FB8] =	sst s10  }
0x35: {  	s10 =	sld [smem:$0x3FB7];
	_ =	sdelay $0x3  }
0x36: {  	p1 =	seq.s32 s10, $0x1;
	s10 =	sld [smem:$0x3FB8];
	_ =	sdelay $0x3  }
0x37: {  	[smem:$0x3FB8] =	sst s10  }
0x38: {  	s10 =	sld [smem:$0x3FB9]  }
0x39: {  	_ = 	snop;
	(pc) =	sbr.ind lr, $3  }
0x3a: {  	_ = 	snop  }
0x3b: {  	_ = 	snop  }
0x3c: {  	p2 =	seq.s32 s10, $0x1;
	s10 =	sld [smem:$0x3FB8]  }
0x3d: {  	_ =	shalt  }
0x3e: {  	_ =	shalt  }
0x3f: {  	_ =	shalt  }
0x40: {  	_ =	shalt  }
0x41: {  	_ =	shalt  }
0x42: {  	_ =	shalt  }
0x43: {  	_ =	shalt  }
0x44: {  	_ =	shalt  }
0x45: {  	_ =	shalt  }
0x46: {  	_ =	shalt  }
0x47: {  	_ =	shalt  }
0x48: {  	_ =	shalt  }
0x49: {  	_ =	shalt  }
0x4a: {  	_ =	shalt  }
0x4b: {  	_ =	shalt  }
0x4c: {  	_ =	shalt  }
0x4d: {  	_ =	shalt  }
0x4e: {  	_ =	shalt  }
0x4f: {  	_ =	shalt  }
0x50: {  	_ =	shalt  }
0x51: {  	_ =	shalt  }
0x52: {  	_ =	shalt  }
0x53: {  	_ =	shalt  }
0x54: {  	_ =	shalt  }
0x55: {  	_ =	shalt  }
0x56: {  	_ =	shalt  }
0x57: {  	_ =	shalt  }
0x58: {  	_ =	shalt  }
0x59: {  	_ =	shalt  }
0x5a: {  	_ =	shalt  }
0x5b: {  	_ =	shalt  }
0x5c: {  	_ =	shalt  }
0x5d: {  	_ =	shalt  }
0x5e: {  	_ =	shalt  }
0x5f: {  	_ =	shalt  }
0x60: {  	_ =	shalt  }
0x61: {  	_ =	shalt  }
0x62: {  	_ =	shalt  }
0x63: {  	_ =	shalt  }
0x64: {  	_ =	shalt  }
0x65: {  	_ =	shalt  }
0x66: {  	_ =	shalt  }
0x67: {  	_ =	shalt  }
0x68: {  	_ =	shalt  }
0x69: {  	_ =	shalt  }
0x6a: {  	_ =	shalt  }
0x6b: {  	_ =	shalt  }
0x6c: {  	_ =	shalt  }
0x6d: {  	_ =	shalt  }
0x6e: {  	_ =	shalt  }
0x6f: {  	_ =	shalt  }
0x70: {  	_ =	shalt  }
0x71: {  	_ =	shalt  }
0x72: {  	_ =	shalt  }
0x73: {  	_ =	shalt  }
0x74: {  	_ =	shalt  }
0x75: {  	_ =	shalt  }
0x76: {  	_ =	shalt  }
0x77: {  	_ =	shalt  }
0x78: {  	_ =	shalt  }
0x79: {  	_ =	shalt  }
0x7a: {  	_ =	shalt  }
0x7b: {  	_ =	shalt  }
0x7c: {  	_ =	shalt  }
0x7d: {  	_ =	shalt  }
0x7e: {  	_ =	shalt  }
0x7f: {  	_ =	shalt  }
0x80: {  	_ =	shalt  }
0x81: {  	_ =	shalt  }
0x82: {  	_ =	shalt  }
0x83: {  	_ =	shalt  }
0x84: {  	_ =	shalt  }
0x85: {  	_ =	shalt  }
0x86: {  	_ =	shalt  }
0x87: {  	_ =	shalt  }
.Lfunc_end0:
.L_simem_size_0:
called_computation_lowered:
.L_overlay_start_0:
0x88: {  	s2 =	sld [smem:$0x3FD9]  }
0x89: {  	s3 =	sld [smem:$0x3FFE];
	_ =	sdelay $0x1  }
0x8a: {  	s1 =	srdreg.scid  }
0x8b: {  	s0 =	sand.u32 $0x1, s1  }
0x8c: {  	s17 =	sshll.u32 s0, $0xA;
	s2 =	sadd.s32 s3, s2  }
0x8d: {  	s2 =	sadd.s32 s2, s17  }
0x8e: {  	[smem:$0x3FC4] =	sst s2  }
0x8f: {  	_ = 	snop  }
0x90: {  	s2 =	sld [smem:$0x3FC8];
	(tm) =	ssettm $0x1  }
0x91: {  	s18 =	sld [smem:$0x3FFB];
	_ =	sdelay $0x3  }
0x92: {  	_ =	strace s18  }
0x93: {  	s3 =	sld [smem:$0x3FFC];
	_ =	sdelay $0x3  }
0x94: {  	_ =	strace s3  }
0x95: {  	s3 =	sld [smem:$0x3FFD];
	_ =	sdelay $0x3  }
0x96: {  	_ =	strace s3  }
0x97: {  	_ =	strace $0x8FFFFFFF  }
0x98: {  	s19 =	sld [smem:$0x3FDB];
	_ =	sdelay $0x1  }
0x99: {  	s4 =	simm.s32 $_scs_section_size  }
0x9a: {  	s5 =	simm.s32 $_size__tile_overlayer_lowered;
	s6 =	simm.s32 $_tile_overlayer_lowered  }
0x9b: {  	s22 =	simm.s32 $0x1BFF;
	s21 =	sshll.u32 s6, $0x1;
	s3 =	sadd.s32 s4, s19  }
0x9c: {  	s7 =	simm.s32 $0x0;
	s20 =	sshll.u32 s5, $0x1;
	s5 =	sadd.s32 s21, s3  }
0x9d: {  	[timem:s7], [sflag:s22] =	dma.local [hbm:s5], s20  }
0x9e: {  	_ =	swait.ge [sflag:s22], s20  }
0x9f: {  	s4 =	ssub.s32 $0x0, s20;
	[sflag:s22] =	ssyncset.done $0x0  }
0xa0: {  	[sflag:s22] =	ssyncadd.s32 s4;
	_ =	sdelay $0x1  }
0xa1: {  	s23 =	simm.s32 $0x1B8B  }
0xa2: {  	_ =	swait.ge [sflag:s23], $0x1  }
0xa3: {  	[sflag:s23] =	ssyncset.done $0x0  }
0xa4: {  	s25 =	simm.s32 $0x1B8E;
	s24 =	sld [smem:$0x3FFE];
	[sflag:s23] =	ssyncadd.s32 $0xFFFFFFFF  }
0xa5: {  	s26 =	simm.s32 $execute0_lowered;
	[smem:$0x3FD2] =	sst s25  }
0xa6: {  	s5 =	sshll.u32 s26, $0x1;
	_ =	strace $0x80000046;
	[dreg:$0x1] =	wrdreg $0xFFFFFFFF  }
0xa7: {  	s28 =	simm.s32 $_size_execute0_lowered;
	s3 =	sadd.s32 s3, s5;
	[dreg:$0x0] =	wrdreg $0x0  }
0xa8: {  	s5 =	sshll.u32 s28, $0x1;
	[dreg:$0x2] =	wrdreg s3  }
0xa9: {  	[dreg:$0x3] =	wrdreg s5  }
0xaa: {  	[dreg:$0x4] =	wrdreg $0xC0  }
0xab: {  	_ =	task [dreg:s7], $0x5FFFF  }
0xac: {  	[dreg:$0x1] =	wrdreg $0xFFFFFFFF  }
0xad: {  	[dreg:$0x0] =	wrdreg $0x60  }
0xae: {  	[dreg:$0x2] =	wrdreg s24  }
0xaf: {  	[dreg:$0x3] =	wrdreg s2  }
0xb0: {  	[dreg:$0x4] =	wrdreg $0xB800  }
0xb1: {  	[dreg:$0x5] =	wrdreg $0xC800  }
0xb2: {  	[dreg:$0x6] =	wrdreg $0xE800  }
0xb3: {  	[dreg:$0x7] =	wrdreg $0xE900  }
0xb4: {  	[dreg:$0x8] =	wrdreg $0xD800  }
0xb5: {  	[dreg:$0x9] =	wrdreg $0x9  }
0xb6: {  	_ =	task.clear_ibuf [dreg:s7], $0xAFFFF;
	_ =	strace $0x90000046  }
0xb7: {  	s29 =	simm.s32 $0x9;
	_ =	strace $0x80000048  }
0xb8: {  	_ =	swait.ge [sflag:s29], $0x1  }
0xb9: {  	[sflag:s29] =	ssyncadd.s32 $0xFFFFFFFF  }
0xba: {  	_ =	strace $0x90000048  }
0xbb: {  	_ =	sfence  }
0xbc: {  	s30 =	sld [smem:$0x0];
	_ =	sdelay $0x2  }
0xbd: {  	s31 =	sshll.u32 s1, $0xD;
	s1 =	sshrl.u32 s1, $0x2  }
0xbe: {  	s3 =	sand.u32 $0x4000, s31;
	s1 =	sadd.s32 s1, s30  }
0xbf: {  	s0 =	sor.u32 s3, s0;
	s1 =	sshll.u32 s1, $0x11  }
0xc0: {  	s0 =	sor.u32 s1, s0  }
0xc1: {  	s0 =	sadd.s32 $0x8F2B, s0  }
0xc2: {  	[sflag:s0] =	ssyncadd.remote.s32 $0x1  }
0xc3: {  	_ =	sfence.sel $0xFFFF  }
0xc4: {  	[dreg:$0x0] =	wrdreg $0xFFFFFFFF;
	(pc) =	sbr.abs _section_cstart, $3  }
0xc5: {  	[dreg:$0x1] =	wrdreg $0xFFFFFFFF  }
0xc6: {  	_ =	task.clear_ibuf [dreg:s7], $0x2FFFF;
	_ =	strace $0x9FFFFFFF  }
0xc7: {  	(tm) =	ssettm $0x7FFFFFFF  }
tec
execute0_lowered:
.L_overlay_start_1:
0x0: {  	(tag) =	ssettag $0x1  }
0x1: {  	s4 =	rddreg [dreg:$0x0]  }
0x2: {  	s3 =	rddreg [dreg:$0x1];
	s1 =	srdreg.scid  }
0x3: {  	s12 =	rddreg [dreg:$0x2];
	s1 =	sand.u32 $0x1, s1  }
0x4: {  	s11 =	rddreg [dreg:$0x3];
	p0 =	seq.s32 s1, $0x1  }
.Ltmp0:
0x5: {  	s7 =	rddreg [dreg:$0x4];
	(pc) =	sbr.rel @p0 .LBB2_8-.Ltmp0, $4  }
0x6: {  	s5 =	rddreg [dreg:$0x5]  }
0x7: {  	s2 =	rddreg [dreg:$0x6];
	s13 =	simm.s32 $0x0  }
0x8: {  	[smem:$0x7FF] =	sst s13  }
0x9: {  	s0 =	rddreg [dreg:$0x7];
	_ =	strace $0x80000047;
	s1 =	stileid.u32  }
0xa: {  	s6 =	sshll.u32 s1, $0x6  }
0xb: {  	s8 =	sadd.s32 $0xC00, s4;
	s28 =	sshll.u32 s1, $0x8;
	s15 =	sshll.u32 s1, $0x4  }
0xc: {  	s29 =	simm.s32 $0x200;
	s30 =	sand.u32 $0x600, s13;
	s31 =	sand.u32 $0x70, s13  }
0xd: {  	s14 =	sadd.s32 s6, s4;
	s10 =	sadd.s32 s28, s12;
	s9 =	sadd.s32 s28, s11  }
0xe: {  	s8 =	sadd.s32 s8, s6;
	s3 =	sadd.s32 s3, s6;
	s6 =	sadd.s32 s15, s5  }
0xf: {  	[tilespmem:s13], [sflag:$0x1] =	stream.linear.gather [hbm4b:s8+s13], $0x200, $0x38;
	[tilespmem:$0xEA0] =	vst v63  }
0x10: {  	s4 =	sadd.s32 s28, s2;
	s16 =	sshrl.u32 s30, $0x2;
	s8 =	sadd.s32 s15, s7  }
0x11: {  	[tilespmem:s29], [sflag:$0x2] =	stream.linear.gather [hbm4b:s3+s13], $0x200, $0x38;
	[tilespmem:$0xEA0] =	vst v63  }
0x12: {  	v0 =	vimm.f32 $1.000000000e+00;
	s15 =	sor.u32 s31, s16;
	s3 =	sadd.s32 $0x1000, s14;
	s14 =	simm.s32 $0x40  }
.LBB2_2:
0x13: {  	p0 =	sne.s32 s14, $0x7C0  }
0x14: {  	[tilespmem:s15+$0x400] =	vst v0;
	s13 =	sadd.s32 $0x10, s13;
	s15 =	smov.u32 s14;
	s14 =	sadd.s32 $0x40, s14  }
.Ltmp1:
0x15: {  	(pc) =	sbr.rel @p0 .LBB2_2-.Ltmp1, $4  }
0x16: {  	_ = 	snop  }
0x17: {  	s15 =	sand.u32 $0x600, s15  }
0x18: {  	s16 =	sand.u32 $0x70, s13;
	s15 =	sshrl.u32 s15, $0x2  }
0x19: {  	s15 =	sor.u32 s16, s15  }
0x1a: {  	[tilespmem:s15+$0x400] =	vst v0;
	v0 =	vimm.f32 $0.0e+00  }
0x1b: {  	[tilespmem:$0x600] =	vst v0  }
0x1c: {  	[tilespmem:$0x610] =	vst v0  }
0x1d: {  	[tilespmem:$0x620] =	vst v0  }
0x1e: {  	[tilespmem:$0x630] =	vst v0  }
0x1f: {  	[tilespmem:$0x640] =	vst v0  }
0x20: {  	[tilespmem:$0x650] =	vst v0  }
0x21: {  	[tilespmem:$0x660] =	vst v0  }
0x22: {  	[tilespmem:$0x670] =	vst v0  }
0x23: {  	[tilespmem:$0x680] =	vst v0  }
0x24: {  	[tilespmem:$0x690] =	vst v0  }
0x25: {  	[tilespmem:$0x6A0] =	vst v0  }
0x26: {  	[tilespmem:$0x6B0] =	vst v0  }
0x27: {  	[tilespmem:$0x6C0] =	vst v0  }
0x28: {  	[tilespmem:$0x6D0] =	vst v0  }
0x29: {  	[tilespmem:$0x6E0] =	vst v0  }
0x2a: {  	s14 =	simm.s32 $0x600;
	s13 =	simm.s32 $0x4;
	[tilespmem:$0x6F0] =	vst v0  }
0x2b: {  	[spmem:s10] =	stream.linear.scatter [tilespmem:s14], [sflag:$0x4], $0x100, $0x38;
	[tilespmem:$0xEA0] =	vst v63  }
0x2c: {  	_ =	swait.ge [sflag:s13], $0x100  }
0x2d: {  	[sflag:s13] =	ssyncset.done $0x0  }
0x2e: {  	[sflag:s13] =	ssyncadd.s32 $0xFFFFFF00  }
0x2f: {  	[spmem:s9] =	stream.linear.scatter [tilespmem:s14], [sflag:$0x4], $0x100, $0x38;
	[tilespmem:$0xEA0] =	vst v63  }
0x30: {  	_ =	swait.ge [sflag:s13], $0x100  }
0x31: {  	[sflag:s13] =	ssyncset.done $0x0  }
0x32: {  	s17 =	simm.s32 $0x1;
	[sflag:s13] =	ssyncadd.s32 $0xFFFFFF00  }
0x33: {  	_ =	swait.ge [sflag:s17], $0x200  }
0x34: {  	[sflag:s17] =	ssyncset.done $0x0  }
0x35: {  	s18 =	simm.s32 $0x2;
	[sflag:s17] =	ssyncadd.s32 $0xFFFFFE00  }
0x36: {  	_ =	swait.ge [sflag:s18], $0x200  }
0x37: {  	[sflag:s18] =	ssyncset.done $0x0  }
0x38: {  	s19 =	simm.s32 $0x80;
	[sflag:s18] =	ssyncadd.s32 $0xFFFFFE00  }
0x39: {  	s16 =	simm.s32 $0x200;
	s17 =	simm.s32 $0x0;
	[bflag:$0x0] =	sbarrier.arrive $0xFFFF  }
0x3a: {  	[spmem:s12] =	stream.indirect.scatter.add.f32 [tilespmem:s17], [sflag:$0x3], $0x1, s16, s19, $0xb8;
	[tilespmem:$0xEA0] =	vst v63  }
0x3b: {  	s20 =	simm.s32 $0x400  }
0x3c: {  	[spmem:s11] =	stream.indirect.scatter.add.f32 [tilespmem:s20], [sflag:$0x3], $0x1, s16, s19, $0xb8;
	[tilespmem:$0xEA0] =	vst v63  }
0x3d: {  	s21 =	simm.s32 $0x280  }
0x3e: {  	[spmem:s12] =	stream.indirect.scatter.add.f32 [tilespmem:s19], [sflag:$0x3], $0x1, s21, s19, $0xb8;
	[tilespmem:$0xEA0] =	vst v63  }
0x3f: {  	s22 =	simm.s32 $0x480  }
0x40: {  	[spmem:s11] =	stream.indirect.scatter.add.f32 [tilespmem:s22], [sflag:$0x3], $0x1, s21, s19, $0xb8;
	[tilespmem:$0xEA0] =	vst v63  }
0x41: {  	s23 =	simm.s32 $0x300;
	s24 =	simm.s32 $0x100  }
0x42: {  	[spmem:s12] =	stream.indirect.scatter.add.f32 [tilespmem:s24], [sflag:$0x3], $0x1, s23, s19, $0xb8;
	[tilespmem:$0xEA0] =	vst v63  }
0x43: {  	s25 =	simm.s32 $0x500  }
0x44: {  	[spmem:s11] =	stream.indirect.scatter.add.f32 [tilespmem:s25], [sflag:$0x3], $0x1, s23, s19, $0xb8;
	[tilespmem:$0xEA0] =	vst v63  }
0x45: {  	s26 =	simm.s32 $0x380;
	s28 =	simm.s32 $0x180  }
0x46: {  	[spmem:s12] =	stream.indirect.scatter.add.f32 [tilespmem:s28], [sflag:$0x3], $0x1, s26, s19, $0xb8;
	[tilespmem:$0xEA0] =	vst v63  }
0x47: {  	s29 =	simm.s32 $0x580;
	s30 =	simm.s32 $0x3  }
0x48: {  	[spmem:s11] =	stream.indirect.scatter.add.f32 [tilespmem:s29], [sflag:$0x3], $0x1, s26, s19, $0xb8;
	[tilespmem:$0xEA0] =	vst v63  }
0x49: {  	_ =	swait.ge [sflag:s30], $0x80  }
0x4a: {  	[sflag:s30] =	ssyncset.done $0x0  }
0x4b: {  	[sflag:s30] =	ssyncadd.s32 $0xFFFFFF80  }
0x4c: {  	_ =	swait.ge [sflag:s30], $0x80  }
0x4d: {  	[sflag:s30] =	ssyncset.done $0x0  }
0x4e: {  	[sflag:s30] =	ssyncadd.s32 $0xFFFFFF80  }
0x4f: {  	_ =	swait.ge [sflag:s30], $0x80  }
0x50: {  	[sflag:s30] =	ssyncset.done $0x0  }
0x51: {  	[sflag:s30] =	ssyncadd.s32 $0xFFFFFF80  }
0x52: {  	_ =	swait.ge [sflag:s30], $0x80  }
0x53: {  	[sflag:s30] =	ssyncset.done $0x0  }
0x54: {  	[sflag:s30] =	ssyncadd.s32 $0xFFFFFF80  }
0x55: {  	_ =	swait.ge [sflag:s30], $0x80  }
0x56: {  	[sflag:s30] =	ssyncset.done $0x0  }
0x57: {  	[sflag:s30] =	ssyncadd.s32 $0xFFFFFF80  }
0x58: {  	_ =	swait.ge [sflag:s30], $0x80  }
0x59: {  	[sflag:s30] =	ssyncset.done $0x0  }
0x5a: {  	[sflag:s30] =	ssyncadd.s32 $0xFFFFFF80  }
0x5b: {  	_ =	swait.ge [sflag:s30], $0x80  }
0x5c: {  	[sflag:s30] =	ssyncset.done $0x0  }
0x5d: {  	[sflag:s30] =	ssyncadd.s32 $0xFFFFFF80  }
0x5e: {  	_ =	swait.ge [sflag:s30], $0x80  }
0x5f: {  	[sflag:s30] =	ssyncset.done $0x0  }
0x60: {  	[sflag:s30] =	ssyncadd.s32 $0xFFFFFF80  }
0x61: {  	[bflag:$0x0] =	sbarrier.arrive $0xFFFF  }
0x62: {  	[tilespmem:s14], [sflag:$0x4] =	stream.linear.gather [spmem:s10], $0x100, $0x38;
	[tilespmem:$0xEA0] =	vst v63  }
0x63: {  	_ =	swait.ge [sflag:s13], $0x100  }
0x64: {  	[sflag:s13] =	ssyncset.done $0x0  }
0x65: {  	s31 =	simm.s32 $0x700;
	[sflag:s13] =	ssyncadd.s32 $0xFFFFFF00  }
0x66: {  	[tilespmem:s31], [sflag:$0x4] =	stream.linear.gather [spmem:s9], $0x100, $0x38;
	[tilespmem:$0xEA0] =	vst v63  }
0x67: {  	_ =	swait.ge [sflag:s13], $0x100  }
0x68: {  	[sflag:s13] =	ssyncset.done $0x0  }
0x69: {  	s10 =	simm.s32 $0x0;
	[sflag:s13] =	ssyncadd.s32 $0xFFFFFF00  }
0x6a: {  	v0 =	vld [tilespmem:s10+$0x700];
	_ =	sdelay $0x4  }
0x6b: {  	v0 =	vmax.f32 v0, $1.000000000e+00  }
0x6c: {  	(erf) = vrcp.f32 v0;
	_ =	sdelay $0x2  }
0x6d: {  	s9 =	simm.s32 $0x10;
	[tilespmem:s10+$0x700] =	vst v0  }
0x6e: {  	v1 =	vld [tilespmem:s9+$0x700]  }
0x6f: {  	v0 =	vld [tilespmem:s10+$0x600];
	_ =	sdelay $0x3  }
0x70: {  	v1 =	vmax.f32 v1, $1.000000000e+00;
	v2 =	vpop (erf)  }
0x71: {  	(erf) = vrcp.f32 v1;
	v2 =	vmul.f32 v2, v0;
	_ =	sdelay $0x1  }
0x72: {  	[tilespmem:s9+$0x700] =	vst v1;
	v1 =	vmul.f32 $3.125000000e-02, v2  }
0x73: {  	s12 =	simm.s32 $0xC0;
	s11 =	simm.s32 $0x20;
	v0 =	vimm.f32 $-1.000000020e+30  }
.LBB2_4:
0x74: {  	p0 =	sne.s32 s12, $0x3C0;
	v2 =	vld [tilespmem:s11+$0x700];
	[tilespmem:s10+$0x600] =	vst v1;
	v0 =	vmax.f32 v0, v1;
	s13 =	smov.u32 s12;
	s12 =	sadd.s32 $0x40, s12  }
0x75: {  	s10 =	smov.u32 s9;
	v1 =	vld [tilespmem:s9+$0x600];
	s9 =	smov.u32 s11;
	_ =	sdelay $0x3  }
.Ltmp2:
0x76: {  	v2 =	vmax.f32 v2, $1.000000000e+00;
	v3 =	vpop (erf);
	(pc) =	sbr.rel @p0 .LBB2_4-.Ltmp2, $3  }
0x77: {  	[tilespmem:s9+$0x700] =	vst v2;
	(erf) = vrcp.f32 v2;
	v1 =	vmul.f32 v3, v1;
	_ =	sdelay $0x1  }
0x78: {  	v1 =	vmul.f32 $3.125000000e-02, v1  }
0x79: {  	s11 =	sshra.s32 s13, $0x2  }
0x7a: {  	v2 =	vld [tilespmem:s11+$0x700];
	[tilespmem:s10+$0x600] =	vst v1  }
0x7b: {  	v3 =	vld [tilespmem:s9+$0x600];
	_ =	sdelay $0x3  }
0x7c: {  	v2 =	vmax.f32 v2, $1.000000000e+00;
	v4 =	vpop (erf)  }
0x7d: {  	(erf) = vrcp.f32 v2;
	v3 =	vmul.f32 v4, v3;
	_ =	sdelay $0x1  }
0x7e: {  	v3 =	vmul.f32 $3.125000000e-02, v3  }
0x7f: {  	[tilespmem:s11+$0x700] =	vst v2  }
0x80: {  	[tilespmem:s9+$0x600] =	vst v3  }
0x81: {  	v2 =	vld [tilespmem:s11+$0x600];
	_ =	sdelay $0x3  }
0x82: {  	v47 =	vpop (erf)  }
0x83: {  	v2 =	vmul.f32 v47, v2;
	_ =	sdelay $0x1  }
0x84: {  	v0 =	vmax.f32 v0, v1;
	v1 =	vmul.f32 $3.125000000e-02, v2  }
0x85: {  	v0 =	vmax.f32 v0, v3  }
0x86: {  	v0 =	vmax.f32 v0, v1  }
0x87: {  	(xrf0) =	vmax.scan.msk.f32 $0xffff, v0;
	_ =	sdelay $0x5  }
0x88: {  	v0, _, _ =	vpop (xrf0)  }
0x89: {  	v0 =	vbroadcast v0, $0xF  }
0x8a: {  	vm0 =	vmmov $0x1  }
0x8b: {  	[tilespmem:s11+$0x600] =	vst v1;
	v0 =	vnsel vm0, $0xF149F2CA, v0  }
0x8c: {  	s29 =	simm.s32 $0x800;
	s30 =	simm.s32 $0x4;
	[tilespmem:$0x800] =	vst v0  }
0x8d: {  	[spmem:s8] =	stream.linear.scatter [tilespmem:s29], [sflag:$0x4], $0x10, $0x38;
	[tilespmem:$0xEA0] =	vst v63  }
0x8e: {  	_ =	swait.ge [sflag:s30], $0x10  }
0x8f: {  	[sflag:s30] =	ssyncset.done $0x0  }
0x90: {  	[sflag:s30] =	ssyncadd.s32 $0xFFFFFFF0  }
0x91: {  	s31 =	simm.s32 $0x880;
	[bflag:$0x0] =	sbarrier.arrive $0xFFFF  }
0x92: {  	[tilespmem:s31], [sflag:$0x4] =	stream.linear.gather [spmem:s7], $0x100, $0x38;
	[tilespmem:$0xEA0] =	vst v63  }
0x93: {  	_ =	swait.ge [sflag:s30], $0x100  }
0x94: {  	[sflag:s30] =	ssyncset.done $0x0  }
0x95: {  	[sflag:s30] =	ssyncadd.s32 $0xFFFFFF00  }
0x96: {  	v0 =	vld [tilespmem:$0x880]  }
0x97: {  	v1 =	vld [tilespmem:$0x890]  }
0x98: {  	v2 =	vld [tilespmem:$0x8A0]  }
0x99: {  	v3 =	vld [tilespmem:$0x8B0]  }
0x9a: {  	v48 =	vld [tilespmem:$0x8C0]  }
0x9b: {  	v5 =	vld [tilespmem:$0x8D0];
	v0 =	vmax.f32 v0, $-1.000000020e+30  }
0x9c: {  	v0 =	vmax.f32 v0, v1;
	v1 =	vld [tilespmem:$0x8E0]  }
0x9d: {  	v0 =	vmax.f32 v0, v2;
	v2 =	vld [tilespmem:$0x8F0]  }
0x9e: {  	v0 =	vmax.f32 v0, v3;
	v3 =	vld [tilespmem:$0x900]  }
0x9f: {  	v49 =	vld [tilespmem:$0x910];
	v0 =	vmax.f32 v0, v48  }
0xa0: {  	v50 =	vld [tilespmem:$0x920];
	v0 =	vmax.f32 v0, v5  }
0xa1: {  	v0 =	vmax.f32 v0, v1;
	v1 =	vld [tilespmem:$0x930]  }
0xa2: {  	v0 =	vmax.f32 v0, v2;
	v2 =	vld [tilespmem:$0x940]  }
0xa3: {  	v0 =	vmax.f32 v0, v3;
	v3 =	vld [tilespmem:$0x950]  }
0xa4: {  	v51 =	vld [tilespmem:$0x960];
	v0 =	vmax.f32 v0, v49  }
0xa5: {  	v52 =	vld [tilespmem:$0x970];
	v0 =	vmax.f32 v0, v50  }
0xa6: {  	v0 =	vmax.f32 v0, v1  }
0xa7: {  	v0 =	vmax.f32 v0, v2  }
0xa8: {  	v0 =	vmax.f32 v0, v3  }
0xa9: {  	v0 =	vmax.f32 v0, v51  }
0xaa: {  	v0 =	vmax.f32 v0, v52  }
0xab: {  	(xrf0) =	vmax.scan.msk.f32 $0xffff, v0;
	_ =	sdelay $0x3  }
0xac: {  	v0 =	vld [tilespmem:$0x600];
	_ =	sdelay $0x1  }
0xad: {  	v2 =	vld [tilespmem:$0x610];
	v1, _, _ =	vpop (xrf0)  }
0xae: {  	v1 =	vbroadcast v1, $0xF;
	_ =	sdelay $0x1  }
0xaf: {  	v0 =	vsub.f32 v0, v1  }
0xb0: {  	v3 =	vld [tilespmem:$0x620]  }
0xb1: {  	v2 =	vsub.f32 v2, v1;
	v0 =	vmul.f32 $1.442695020e+00, v0  }
0xb2: {  	v53 =	vld [tilespmem:$0x630]  }
0xb3: {  	(erf) = vpow2.f32 v0;
	v0 =	vmul.f32 $1.442695020e+00, v2;
	v2 =	vld [tilespmem:$0x640];
	_ =	sdelay $0x1  }
0xb4: {  	v3 =	vsub.f32 v3, v1;
	(erf) = vpow2.f32 v0;
	v0 =	vld [tilespmem:$0x650];
	_ =	sdelay $0x1  }
0xb5: {  	v54 =	vld [tilespmem:$0x660];
	v4 =	vsub.f32 v53, v1;
	v3 =	vmul.f32 $1.442695020e+00, v3  }
0xb6: {  	v2 =	vsub.f32 v2, v1  }
0xb7: {  	v55 =	vld [tilespmem:$0x670];
	(erf) = vpow2.f32 v3;
	v3 =	vmul.f32 $1.442695020e+00, v4  }
0xb8: {  	v2 =	vmul.f32 $1.442695020e+00, v2;
	v0 =	vsub.f32 v0, v1  }
0xb9: {  	(erf) = vpow2.f32 v3;
	v3 =	vld [tilespmem:$0x680]  }
0xba: {  	(erf) = vpow2.f32 v2;
	v0 =	vmul.f32 $1.442695020e+00, v0;
	v2 =	vsub.f32 v54, v1  }
0xbb: {  	v6 =	vpop (erf)  }
0xbc: {  	v7 =	vpop (erf);
	(erf) = vpow2.f32 v0;
	v0 =	vmul.f32 $1.442695020e+00, v2;
	v2 =	vsub.f32 v55, v1  }
0xbd: {  	v57 =	vld [tilespmem:$0x690];
	v56 =	vadd.f32 $0.0e+00, v6  }
0xbe: {  	(erf) = vpow2.f32 v0;
	v0 =	vmul.f32 $1.442695020e+00, v2;
	v2 =	vsub.f32 v3, v1  }
0xbf: {  	v3 =	vld [tilespmem:$0x6A0]  }
0xc0: {  	v5 =	vadd.f32 v7, v56;
	v8 =	vpop (erf);
	(erf) = vpow2.f32 v0;
	v0 =	vmul.f32 $1.442695020e+00, v2;
	v2 =	vld [tilespmem:$0x6B0];
	_ =	sdelay $0x1  }
0xc1: {  	v4 =	vsub.f32 v57, v1;
	v5 =	vadd.f32 v8, v5;
	v9 =	vpop (erf);
	(erf) = vpow2.f32 v0;
	v0 =	vld [tilespmem:$0x6C0];
	_ =	sdelay $0x1  }
0xc2: {  	v11 =	vld [tilespmem:$0x6D0];
	v4 =	vmul.f32 $1.442695020e+00, v4;
	v5 =	vadd.f32 v9, v5;
	v3 =	vsub.f32 v3, v1  }
0xc3: {  	v10 =	vpop (erf);
	v2 =	vsub.f32 v2, v1  }
0xc4: {  	v59 =	vld [tilespmem:$0x6E0];
	(erf) = vpow2.f32 v4;
	v5 =	vadd.f32 v10, v5;
	v3 =	vmul.f32 $1.442695020e+00, v3  }
0xc5: {  	v12 =	vpop (erf);
	v2 =	vmul.f32 $1.442695020e+00, v2;
	v0 =	vsub.f32 v0, v1  }
0xc6: {  	v60 =	vld [tilespmem:$0x6F0];
	v58 =	vadd.f32 v12, v5;
	v13 =	vpop (erf);
	(erf) = vpow2.f32 v3  }
0xc7: {  	v14 =	vpop (erf);
	(erf) = vpow2.f32 v2;
	v0 =	vmul.f32 $1.442695020e+00, v0;
	v2 =	vsub.f32 v11, v1  }
0xc8: {  	v3 =	vadd.f32 v13, v58  }
0xc9: {  	v61 =	vpop (erf);
	(erf) = vpow2.f32 v0;
	v0 =	vmul.f32 $1.442695020e+00, v2;
	v2 =	vsub.f32 v59, v1  }
0xca: {  	v3 =	vadd.f32 v14, v3  }
0xcb: {  	v1 =	vsub.f32 v60, v1;
	(erf) = vpow2.f32 v0;
	v0 =	vmul.f32 $1.442695020e+00, v2  }
0xcc: {  	v3 =	vadd.f32 v61, v3  }
0xcd: {  	v2 =	vpop (erf);
	(erf) = vpow2.f32 v0;
	v0 =	vmul.f32 $1.442695020e+00, v1  }
0xce: {  	v3 =	vadd.f32 v2, v3  }
0xcf: {  	v1 =	vpop (erf)  }
0xd0: {  	(erf) = vpow2.f32 v0;
	v3 =	vadd.f32 v1, v3  }
0xd1: {  	v0 =	vpop (erf)  }
0xd2: {  	v3 =	vadd.f32 v0, v3  }
0xd3: {  	v62 =	vpop (erf)  }
0xd4: {  	v3 =	vadd.f32 v62, v3  }
0xd5: {  	v63 =	vpop (erf)  }
0xd6: {  	v3 =	vadd.f32 v63, v3  }
0xd7: {  	v15 =	vpop (erf)  }
0xd8: {  	v3 =	vadd.f32 v15, v3  }
0xd9: {  	v16 =	vpop (erf)  }
0xda: {  	[tilespmem:$0x600] =	vst v6;
	v3 =	vadd.f32 v16, v3  }
0xdb: {  	[tilespmem:$0x610] =	vst v7  }
0xdc: {  	[tilespmem:$0x620] =	vst v8;
	(xrf2) =	vadd.scan.msk.f32 $0xffff, v3  }
0xdd: {  	[tilespmem:$0x630] =	vst v9  }
0xde: {  	[tilespmem:$0x640] =	vst v10  }
0xdf: {  	[tilespmem:$0x650] =	vst v12  }
0xe0: {  	[tilespmem:$0x660] =	vst v13  }
0xe1: {  	[tilespmem:$0x670] =	vst v14  }
0xe2: {  	[tilespmem:$0x680] =	vst v61  }
0xe3: {  	[tilespmem:$0x690] =	vst v2  }
0xe4: {  	[tilespmem:$0x6A0] =	vst v1  }
0xe5: {  	[tilespmem:$0x6B0] =	vst v0  }
0xe6: {  	[tilespmem:$0x6C0] =	vst v62;
	v0, _, _ =	vpop (xrf2)  }
0xe7: {  	[tilespmem:$0x6D0] =	vst v63;
	v0 =	vbroadcast v0, $0xF  }
0xe8: {  	[tilespmem:$0x6E0] =	vst v15  }
0xe9: {  	[tilespmem:$0x6F0] =	vst v16;
	v0 =	vnsel vm0, $0x0, v0  }
0xea: {  	[tilespmem:$0x800] =	vst v0  }
0xeb: {  	[spmem:s6] =	stream.linear.scatter [tilespmem:s29], [sflag:$0x4], $0x10, $0x38;
	[tilespmem:$0xEA0] =	vst v63  }
0xec: {  	_ =	swait.ge [sflag:s30], $0x10  }
0xed: {  	[sflag:s30] =	ssyncset.done $0x0  }
0xee: {  	[sflag:s30] =	ssyncadd.s32 $0xFFFFFFF0  }
0xef: {  	[bflag:$0x0] =	sbarrier.arrive $0xFFFF  }
0xf0: {  	[tilespmem:s31], [sflag:$0x4] =	stream.linear.gather [spmem:s5], $0x100, $0x38;
	[tilespmem:$0xEA0] =	vst v63  }
0xf1: {  	_ =	swait.ge [sflag:s30], $0x100  }
0xf2: {  	[sflag:s30] =	ssyncset.done $0x0  }
0xf3: {  	[sflag:s30] =	ssyncadd.s32 $0xFFFFFF00  }
0xf4: {  	v0 =	vld [tilespmem:$0x880];
	_ =	sdelay $0x1  }
0xf5: {  	v1 =	vld [tilespmem:$0x890];
	_ =	sdelay $0x1  }
0xf6: {  	v2 =	vld [tilespmem:$0x8A0]  }
0xf7: {  	v0 =	vadd.f32 $0.0e+00, v0  }
0xf8: {  	v3 =	vld [tilespmem:$0x8B0]  }
0xf9: {  	v0 =	vadd.f32 v1, v0  }
0xfa: {  	v1 =	vld [tilespmem:$0x8C0]  }
0xfb: {  	v0 =	vadd.f32 v2, v0  }
0xfc: {  	v2 =	vld [tilespmem:$0x8D0]  }
0xfd: {  	v0 =	vadd.f32 v3, v0  }
0xfe: {  	v3 =	vld [tilespmem:$0x8E0]  }
0xff: {  	v0 =	vadd.f32 v1, v0  }
0x100: {  	v1 =	vld [tilespmem:$0x8F0]  }
0x101: {  	v0 =	vadd.f32 v2, v0  }
0x102: {  	v2 =	vld [tilespmem:$0x900]  }
0x103: {  	v0 =	vadd.f32 v3, v0  }
0x104: {  	v3 =	vld [tilespmem:$0x910]  }
0x105: {  	v0 =	vadd.f32 v1, v0  }
0x106: {  	v1 =	vld [tilespmem:$0x920]  }
0x107: {  	v0 =	vadd.f32 v2, v0  }
0x108: {  	v2 =	vld [tilespmem:$0x930]  }
0x109: {  	v0 =	vadd.f32 v3, v0  }
0x10a: {  	v3 =	vld [tilespmem:$0x940]  }
0x10b: {  	v0 =	vadd.f32 v1, v0  }
0x10c: {  	v1 =	vld [tilespmem:$0x950]  }
0x10d: {  	v0 =	vadd.f32 v2, v0  }
0x10e: {  	v2 =	vld [tilespmem:$0x960]  }
0x10f: {  	v0 =	vadd.f32 v3, v0  }
0x110: {  	v3 =	vld [tilespmem:$0x970]  }
0x111: {  	v0 =	vadd.f32 v1, v0;
	_ =	sdelay $0x1  }
0x112: {  	v0 =	vadd.f32 v2, v0;
	_ =	sdelay $0x1  }
0x113: {  	v0 =	vadd.f32 v3, v0;
	_ =	sdelay $0x1  }
0x114: {  	(xrf2) =	vadd.scan.msk.f32 $0xffff, v0;
	_ =	sdelay $0x9  }
0x115: {  	v0, _, _ =	vpop (xrf2)  }
0x116: {  	v0 =	vbroadcast v0, $0xF;
	_ =	sdelay $0x1  }
0x117: {  	(erf) = vrcp.f32 v0;
	_ =	sdelay $0x2  }
0x118: {  	s5 =	simm.s32 $0x0  }
0x119: {  	v1 =	vld [tilespmem:s5+$0x700];
	_ =	sdelay $0x4  }
0x11a: {  	v0 =	vpop (erf);
	(erf) = vrcp.f32 v1;
	_ =	sdelay $0x2  }
0x11b: {  	v1 =	vld [tilespmem:s5+$0x600]  }
0x11c: {  	s7 =	simm.s32 $0x80;
	s6 =	simm.s32 $0x10  }
.LBB2_6:
0x11d: {  	p0 =	sne.s32 s7, $0x3C0;
	v2 =	vld [tilespmem:s6+$0x700];
	_ =	sdelay $0x2  }
0x11e: {  	v1 =	vmul.f32 v1, v0  }
0x11f: {  	v3 =	vpop (erf)  }
.Ltmp3:
0x120: {  	(erf) = vrcp.f32 v2;
	v1 =	vmul.f32 v3, v1;
	(pc) =	sbr.rel @p0 .LBB2_6-.Ltmp3, $4  }
0x121: {  	_ = 	snop  }
0x122: {  	[tilespmem:s5+$0x600] =	vst v1;
	s5 =	smov.u32 s6  }
0x123: {  	v1 =	vld [tilespmem:s5+$0x600]  }
0x124: {  	s6 =	sshra.s32 s7, $0x2;
	s7 =	sadd.s32 $0x40, s7  }
0x125: {  	v2 =	vld [tilespmem:s6+$0x700];
	_ =	sdelay $0x2  }
0x126: {  	v1 =	vmul.f32 v1, v0  }
0x127: {  	v3 =	vpop (erf)  }
0x128: {  	(erf) = vrcp.f32 v2;
	v1 =	vmul.f32 v3, v1;
	_ =	sdelay $0x1  }
0x129: {  	[tilespmem:s5+$0x600] =	vst v1  }
0x12a: {  	v1 =	vld [tilespmem:s6+$0x600];
	_ =	sdelay $0x4  }
0x12b: {  	v62 =	vmul.f32 v1, v0  }
0x12c: {  	v63 =	vpop (erf)  }
0x12d: {  	v0 =	vmul.f32 v63, v62;
	_ =	sdelay $0x1  }
0x12e: {  	s20 =	simm.s32 $0x600;
	s21 =	simm.s32 $0x4;
	[tilespmem:s6+$0x600] =	vst v0  }
0x12f: {  	[spmem:s4] =	stream.linear.scatter [tilespmem:s20], [sflag:$0x4], $0x100, $0x38;
	[tilespmem:$0xEA0] =	vst v63  }
0x130: {  	_ =	swait.ge [sflag:s21], $0x100  }
0x131: {  	[sflag:s21] =	ssyncset.done $0x0  }
0x132: {  	s22 =	simm.s32 $0x80;
	[sflag:s21] =	ssyncadd.s32 $0xFFFFFF00  }
0x133: {  	s23 =	simm.s32 $0x200;
	s7 =	simm.s32 $0x980;
	[bflag:$0x0] =	sbarrier.arrive $0xFFFF  }
0x134: {  	[tilespmem:s7], [sflag:$0x3] =	stream.indirect.gather [spmem:s2], $0x1, s23, s22, $0xb8;
	[tilespmem:$0xEA0] =	vst v63  }
0x135: {  	s24 =	simm.s32 $0x280;
	s8 =	simm.s32 $0xA00  }
0x136: {  	[tilespmem:s8], [sflag:$0x3] =	stream.indirect.gather [spmem:s2], $0x1, s24, s22, $0xb8;
	[tilespmem:$0xEA0] =	vst v63  }
0x137: {  	s25 =	simm.s32 $0x300;
	s26 =	simm.s32 $0xA80  }
0x138: {  	[tilespmem:s26], [sflag:$0x3] =	stream.indirect.gather [spmem:s2], $0x1, s25, s22, $0xb8;
	[tilespmem:$0xEA0] =	vst v63  }
0x139: {  	s28 =	simm.s32 $0x380;
	s29 =	simm.s32 $0xB00;
	s30 =	simm.s32 $0x3  }
0x13a: {  	[tilespmem:s29], [sflag:$0x3] =	stream.indirect.gather [spmem:s2], $0x1, s28, s22, $0xb8;
	[tilespmem:$0xEA0] =	vst v63  }
0x13b: {  	_ =	swait.ge [sflag:s30], $0x80  }
0x13c: {  	[sflag:s30] =	ssyncset.done $0x0  }
0x13d: {  	[sflag:s30] =	ssyncadd.s32 $0xFFFFFF80  }
0x13e: {  	_ =	swait.ge [sflag:s30], $0x80  }
0x13f: {  	[sflag:s30] =	ssyncset.done $0x0  }
0x140: {  	[sflag:s30] =	ssyncadd.s32 $0xFFFFFF80  }
0x141: {  	_ =	swait.ge [sflag:s30], $0x80  }
0x142: {  	[sflag:s30] =	ssyncset.done $0x0  }
0x143: {  	[sflag:s30] =	ssyncadd.s32 $0xFFFFFF80  }
0x144: {  	_ =	swait.ge [sflag:s30], $0x80  }
0x145: {  	[sflag:s30] =	ssyncset.done $0x0  }
0x146: {  	s31 =	simm.s32 $0x0;
	[sflag:s30] =	ssyncadd.s32 $0xFFFFFF80  }
0x147: {  	[hbm4b:s3+s31] =	stream.linear.scatter [tilespmem:s7], [sflag:$0x4], $0x200, $0x38;
	[tilespmem:$0xEA0] =	vst v63  }
0x148: {  	_ =	swait.ge [sflag:s21], $0x200  }
0x149: {  	[sflag:s21] =	ssyncset.done $0x0  }
0x14a: {  	[sflag:s21] =	ssyncadd.s32 $0xFFFFFE00  }
.LBB2_8:
0x14b: {  	_ =	sfence.sel $0x180000  }
0x14c: {  	[bflag:$0x0] =	sbarrier.arrive $0xFFFF  }
0x14d: {  	p0 =	sne.s32 s1, $0x0;
	_ =	strace $0x90000047  }
0x14e: {  	s0 =	sadd.s32 @!p0 $0x100000, s0;
	[bflag:$0x2] =	sbarrier.arrive $0xFFFF  }
0x14f: {  	[sflag:s0] =	ssyncadd.tile.s32 @!p0 $0x1;
	_ =	shalt  }
.Lfunc_end2:
_tile_overlayer_lowered:
.L_overlay_start_2:
0x150: {  	(tag) =	ssettag $0x2  }
0x151: {  	s0 =	rddreg [dreg:$0x0];
	s2 =	stileid.u32  }
0x152: {  	s1 =	rddreg [dreg:$0x1];
	p0 =	sne.s32 s2, $0x0  }
0x153: {  	s3 =	rddreg [dreg:$0x2];
	[bflag:$0x3] =	sbarrier.arrive $0xFFFF;
	s2 =	simm.s32 @!p0 $0x1C04  }
0x154: {  	[timem:s3], [sflag:s2] =	dma.local @!p0 [hbm:s0], s1  }
0x155: {  	s0 =	simm.s32 @!p0 $0x4  }
0x156: {  	_ =	swait.ge @!p0 [sflag:s0], s1  }
0x157: {  	s1 =	ssub.s32 @!p0 $0x0, s1;
	[sflag:s0] =	ssyncset.done @!p0 $0x0  }
0x158: {  	[sflag:s0] =	ssyncadd.s32 @!p0 s1  }
0x159: {  	[bflag:$0x3] =	sbarrier.arrive $0xFFFF  }
0x15a: {  	_ =	shalt  }

</sc_bundles>
